<compile_context>
chip_gen: v7x
topology: tpu7x:2x2x1
jax: 0.10.2.dev20260603
libtpu: 0.0.44.dev20260713+nightly
codegen_flags: <defaults>
</compile_context>

<pallas_src>
import jax
import jax.numpy as jnp
from jax import lax
from jax.experimental import pallas as pl
from jax.experimental.pallas import tpu as pltpu
from jax.experimental.pallas import tpu_sc as plsc

_N_LINE = 2000
_N_TRI = 26000
_G = 256
_O = 258
_NS = 12288
_LCH = 128
_TCH = 1632
_NLP = 16 * _LCH
_NTP = 16 * _TCH
_NSAMP = _LCH + _TCH
_HALF_SHIFT = 23
_SLAB_SHIFT = 19
_SLAB = 1 << _SLAB_SHIFT
_ZCH = 32768
_NZ = _SLAB // _ZCH
_CMAX = _NS // 16 + _NSAMP + 32
_BX = 6


def _sample_params(lines_array, faces_array, dtype):
    key = jax.random.key(42)
    kl, kt = jax.random.split(key)

    B, L, _ = lines_array.shape
    k1, k2 = jax.random.split(kl)
    li = jax.random.randint(k1, (B, _N_LINE), 0, L)
    t = jax.random.uniform(k2, (B, _N_LINE, 1), dtype=dtype)

    _, F, _ = faces_array.shape
    k1t, k2t, k3t = jax.random.split(kt, 3)
    fi = jax.random.randint(k1t, (B, _N_TRI), 0, F)
    u = jax.random.uniform(k2t, (B, _N_TRI, 1), dtype=dtype)
    v = jax.random.uniform(k3t, (B, _N_TRI, 1), dtype=dtype)
    flip = (u + v) > 1.0
    u = jnp.where(flip, 1.0 - u, u)
    v = jnp.where(flip, 1.0 - v, v)
    return li[0], t[0, :, 0], fi[0], u[0, :, 0], v[0, :, 0]


def _vox16(rx, ry, rz):
    xi = jnp.clip(rx * 256.0 + 128.5, 0.0, 255.0).astype(jnp.int32)
    yi = jnp.clip(ry * 256.0 + 128.5, 0.0, 255.0).astype(jnp.int32)
    zi = jnp.clip(rz * 256.0 + 128.5, 0.0, 255.0).astype(jnp.int32)
    return (xi * _G + yi) * _G + zi


def _sc_fused_body(curves_hbm, l0_hbm, l1_hbm, li_hbm, t_hbm,
                   surf_hbm, f0_hbm, f1_hbm, f2_hbm, fi_hbm, u_hbm, v_hbm,
                   cs_hbm, ts_hbm, grid_hbm,
                   curves_v, l0_v, l1_v, li_v, t_v,
                   surf_v, f0_v, f1_v, f2_v, fi_v, u_v, v_v,
                   sampids_v, cs_stage, ts_stage, cbuf, zbuf, ones_v,
                   zsem, ssem, osem):
    c = lax.axis_index("c")
    s = lax.axis_index("s")
    wid = c * 16 + s

    zero16 = jnp.zeros((16,), jnp.float32)

    def zfill(i, carry):
        zbuf[pl.ds(i * 16, 16)] = zero16
        return carry

    lax.fori_loop(0, _ZCH // 16, zfill, 0)
    ones_v[...] = jnp.ones((16,), jnp.float32)

    base = wid * _SLAB
    zcopies = [
        pltpu.async_copy(zbuf, grid_hbm.at[pl.ds(base + t_ * _ZCH, _ZCH)], zsem)
        for t_ in range(_NZ)
    ]

    pltpu.sync_copy(curves_hbm, curves_v)
    pltpu.sync_copy(l0_hbm, l0_v)
    pltpu.sync_copy(l1_hbm, l1_v)
    pltpu.sync_copy(surf_hbm, surf_v)
    pltpu.sync_copy(f0_hbm, f0_v)
    pltpu.sync_copy(f1_hbm, f1_v)
    pltpu.sync_copy(f2_hbm, f2_v)
    pltpu.sync_copy(li_hbm.at[pl.ds(s * _LCH, _LCH)], li_v)
    pltpu.sync_copy(t_hbm.at[pl.ds(s * _LCH, _LCH)], t_v)
    pltpu.sync_copy(fi_hbm.at[pl.ds(s * _TCH, _TCH)], fi_v)
    pltpu.sync_copy(u_hbm.at[pl.ds(s * _TCH, _TCH)], u_v)
    pltpu.sync_copy(v_hbm.at[pl.ds(s * _TCH, _TCH)], v_v)

    def line_batch(r, carry):
        li16 = li_v[pl.ds(r * 16, 16)]
        t16 = t_v[pl.ds(r * 16, 16)]
        i0 = plsc.load_gather(l0_v, [li16]) * 3
        i1 = plsc.load_gather(l1_v, [li16]) * 3
        res = []
        for coord in range(3):
            p0 = plsc.load_gather(curves_v, [i0 + coord])
            p1 = plsc.load_gather(curves_v, [i1 + coord])
            rc = p0 + t16 * (p1 - p0)
            cs_stage[pl.ds(coord * _LCH + r * 16, 16)] = rc
            res.append(rc)
        sampids_v[pl.ds(r * 16, 16)] = _vox16(*res)
        return carry

    lax.fori_loop(0, _LCH // 16, line_batch, 0)
    cp_cs = pltpu.async_copy(
        cs_stage, cs_hbm.at[pl.ds(s * 3 * _LCH, 3 * _LCH)], osem)

    def tri_batch(r, carry):
        fi16 = fi_v[pl.ds(r * 16, 16)]
        u16 = u_v[pl.ds(r * 16, 16)]
        v16 = v_v[pl.ds(r * 16, 16)]
        ia = plsc.load_gather(f0_v, [fi16]) * 3
        ib = plsc.load_gather(f1_v, [fi16]) * 3
        ic = plsc.load_gather(f2_v, [fi16]) * 3
        res = []
        for coord in range(3):
            av = plsc.load_gather(surf_v, [ia + coord])
            bv = plsc.load_gather(surf_v, [ib + coord])
            cv = plsc.load_gather(surf_v, [ic + coord])
            rc = av + u16 * (bv - av) + v16 * (cv - av)
            ts_stage[pl.ds(coord * _TCH + r * 16, 16)] = rc
            res.append(rc)
        sampids_v[pl.ds(_LCH + r * 16, 16)] = _vox16(*res)
        return carry

    lax.fori_loop(0, _TCH // 16, tri_batch, 0)
    cp_ts = pltpu.async_copy(
        ts_stage, ts_hbm.at[pl.ds(s * 3 * _TCH, 3 * _TCH)], osem)

    lane16 = lax.iota(jnp.int32, 16)

    def make_scan_static(table_v):
        def scan_static(k, off):
            pos = (lane16 + (k * 16 + s) * 16) * 3
            res = [plsc.load_gather(table_v, [pos + coord])
                   for coord in range(3)]
            ids16 = _vox16(*res)
            mask = (ids16 >> _HALF_SHIFT) == c
            cnt = plsc.all_reduce_population_count(mask)[0]
            plsc.store_compressed(cbuf.at[pl.ds(off, 16)], ids16, mask=mask)
            return off + cnt
        return scan_static

    off = lax.fori_loop(0, 4096 // 256, make_scan_static(curves_v), 0)
    off = lax.fori_loop(0, 8192 // 256, make_scan_static(surf_v), off)

    def scan_samp(r, off):
        ids16 = sampids_v[pl.ds(r * 16, 16)]
        mask = (ids16 >> _HALF_SHIFT) == c
        cnt = plsc.all_reduce_population_count(mask)[0]
        plsc.store_compressed(cbuf.at[pl.ds(off, 16)], ids16, mask=mask)
        return off + cnt

    off = lax.fori_loop(0, _NSAMP // 16, scan_samp, off)

    for cp in zcopies:
        cp.wait()
    plsc.subcore_barrier()

    @pl.when(off > 0)
    def _scatter():
        v0 = cbuf[pl.ds(0, 16)][0]
        cbuf[pl.ds(off, 16)] = jnp.full((16,), v0, jnp.int32)
        nb = (off + 15) // 16

        def fire(j, carry):
            idx = cbuf[pl.ds(j * 16, 16)]
            pltpu.async_copy(ones_v, grid_hbm.at[idx], ssem)
            return carry

        lax.fori_loop(0, nb, fire, 0)

        def drain(j, carry):
            pltpu.make_async_copy(
                ones_v, grid_hbm.at[jnp.zeros((16,), jnp.int32)], ssem
            ).wait()
            return carry

        lax.fori_loop(0, nb, drain, 0)

    cp_cs.wait()
    cp_ts.wait()


def _sc_fused(curves, lines_array, surfaces, faces_array, li, t, fi, u, v):
    mesh = plsc.VectorSubcoreMesh(core_axis_name="c", subcore_axis_name="s")
    kern = pl.kernel(
        _sc_fused_body,
        out_type=(
            jax.ShapeDtypeStruct((16 * 3 * _LCH,), jnp.float32),
            jax.ShapeDtypeStruct((16 * 3 * _TCH,), jnp.float32),
            jax.ShapeDtypeStruct((_G * _G * _G,), jnp.float32),
        ),
        mesh=mesh,
        compiler_params=pltpu.CompilerParams(needs_layout_passes=False),
        scratch_types=[
            pltpu.VMEM((12288,), jnp.float32),
            pltpu.VMEM((2048,), jnp.int32),
            pltpu.VMEM((2048,), jnp.int32),
            pltpu.VMEM((_LCH,), jnp.int32),
            pltpu.VMEM((_LCH,), jnp.float32),
            pltpu.VMEM((24576,), jnp.float32),
            pltpu.VMEM((4096,), jnp.int32),
            pltpu.VMEM((4096,), jnp.int32),
            pltpu.VMEM((4096,), jnp.int32),
            pltpu.VMEM((_TCH,), jnp.int32),
            pltpu.VMEM((_TCH,), jnp.float32),
            pltpu.VMEM((_TCH,), jnp.float32),
            pltpu.VMEM((_NSAMP,), jnp.int32),
            pltpu.VMEM((3 * _LCH,), jnp.float32),
            pltpu.VMEM((3 * _TCH,), jnp.float32),
            pltpu.VMEM((_CMAX,), jnp.int32),
            pltpu.VMEM((_ZCH,), jnp.float32),
            pltpu.VMEM((16,), jnp.float32),
            pltpu.SemaphoreType.DMA,
            pltpu.SemaphoreType.DMA,
            pltpu.SemaphoreType.DMA,
        ],
    )

    def padi(a, n):
        return jnp.concatenate([a, jnp.broadcast_to(a[-1], (n - a.shape[0],))])

    cs_f, ts_f, grid = kern(
        curves.reshape(-1), lines_array[0, :, 0], lines_array[0, :, 1],
        padi(li, _NLP), padi(t, _NLP),
        surfaces.reshape(-1), faces_array[0, :, 0], faces_array[0, :, 1],
        faces_array[0, :, 2], padi(fi, _NTP), padi(u, _NTP), padi(v, _NTP),
    )
    cs = cs_f.reshape(16, 3, _LCH).transpose(0, 2, 1).reshape(_NLP, 3)
    ts = ts_f.reshape(16, 3, _TCH).transpose(0, 2, 1).reshape(_NTP, 3)
    return cs[:_N_LINE], ts[:_N_TRI], grid.reshape(_G, _G, _G)


def _dilate_body(halo_ref, main_ref, out_ref):
    b = pl.program_id(0)
    zrow2 = jnp.zeros((2, _G), jnp.float32)
    zrow1 = jnp.zeros((1, _G), jnp.float32)
    zcol2 = jnp.zeros((_O, 2), jnp.float32)
    zcol1 = jnp.zeros((_O, 1), jnp.float32)
    for r in range(_BX):
        m = None
        for d in range(3):
            off = r - 2 + d
            g = _BX * b + off
            valid = jnp.logical_and(g >= 0, g <= _G - 1)
            plane = halo_ref[2 + off] if off < 0 else main_ref[off]
            pm = jnp.where(valid, plane, 0.0)
            m = pm if m is None else jnp.maximum(m, pm)
        ya = jnp.concatenate([zrow2, m], axis=0)
        yb = jnp.concatenate([zrow1, m, zrow1], axis=0)
        yc = jnp.concatenate([m, zrow2], axis=0)
        my = jnp.maximum(jnp.maximum(ya, yb), yc)
        za = jnp.concatenate([zcol2, my], axis=1)
        zb = jnp.concatenate([zcol1, my, zcol1], axis=1)
        zc = jnp.concatenate([my, zcol2], axis=1)
        out_ref[0, 0, r] = jnp.maximum(jnp.maximum(za, zb), zc)


def _dilate(grid):
    nb = _O // _BX
    return pl.pallas_call(
        _dilate_body,
        grid=(nb,),
        in_specs=[
            pl.BlockSpec((2, _G, _G), lambda b: (jnp.maximum(3 * b - 1, 0), 0, 0)),
            pl.BlockSpec((_BX, _G, _G), lambda b: (b, 0, 0)),
        ],
        out_specs=pl.BlockSpec((1, 1, _BX, _O, _O), lambda b: (0, 0, b, 0, 0)),
        out_shape=jax.ShapeDtypeStruct((1, 1, _O, _O, _O), jnp.float32),
    )(grid, grid)


def kernel(imgs, curves, lines_array, surfaces, faces_array, indices_array):
    del imgs, indices_array
    li, t, fi, u, v = _sample_params(lines_array, faces_array, curves.dtype)

    cs, ts, grid = _sc_fused(curves, lines_array, surfaces, faces_array,
                             li, t, fi, u, v)
    x = jnp.concatenate([curves, cs[None], surfaces, ts[None]], axis=1)

    occ = _dilate(grid)
    return (x, occ)

# --- scband reference (transcript-rebuilt; emitter-appended) ---
"""Pipeline reference for scband-corrosion-refinement-15238543966313 (READ-ONLY COPY).

The authoritative reference and input builder live on the scoring server;
editing this copy changes nothing except your own understanding.
"""

import jax, jax.numpy as jnp
import numpy as np

NUM_SAMPLES_LINE = 2000
NUM_SAMPLES_TRIANGLE = 26000


def batch_sample_lines(key, curves, lines_array, num):
    B, L, _ = lines_array.shape
    k1, k2 = jax.random.split(key)
    idx = jax.random.randint(k1, (B, num), 0, L)
    t = jax.random.uniform(k2, (B, num, 1), dtype=curves.dtype)
    def per(c, l, i, tt):
        ln = l[i]
        p0 = c[ln[:, 0]]
        p1 = c[ln[:, 1]]
        return p0 + tt * (p1 - p0)
    return jax.vmap(per)(curves, lines_array, idx, t)


def batch_sample_triangles(key, surfaces, faces_array, num):
    B, F, _ = faces_array.shape
    k1, k2, k3 = jax.random.split(key, 3)
    idx = jax.random.randint(k1, (B, num), 0, F)
    u = jax.random.uniform(k2, (B, num, 1), dtype=surfaces.dtype)
    v = jax.random.uniform(k3, (B, num, 1), dtype=surfaces.dtype)
    flip = (u + v) > 1.0
    u = jnp.where(flip, 1.0 - u, u)
    v = jnp.where(flip, 1.0 - v, v)
    def per(s, f, i, uu, vv):
        tri = f[i]
        a = s[tri[:, 0]]
        b = s[tri[:, 1]]
        c = s[tri[:, 2]]
        return a + uu * (b - a) + vv * (c - a)
    return jax.vmap(per)(surfaces, faces_array, idx, u, v)


def point_to_cell(pts, feat, W, H, D):
    B, N, C = feat.shape
    def per(p, f):
        cell = jnp.zeros((W, H, D, C), dtype=f.dtype)
        return cell.at[p[:, 0], p[:, 1], p[:, 2], :].set(f)
    feat_cell = jax.vmap(per)(pts, feat)
    feat_cell = feat_cell.reshape(B, W * H * D, C)
    feat_cell = jnp.transpose(feat_cell, (0, 2, 1)).reshape(B, C, W, H, D)
    return feat_cell


def max_pool3d_k3_s1_p2(x):
    return jax.lax.reduce_window(
        x, -jnp.inf, jax.lax.max,
        window_dimensions=(1, 1, 3, 3, 3),
        window_strides=(1, 1, 1, 1, 1),
        padding=((0, 0), (0, 0), (2, 2), (2, 2), (2, 2)))


def setup_inputs(seed: int = 0):
    key = jax.random.key(seed)
    ks = jax.random.split(key, 6)
    imgs = jax.random.normal(ks[0], (1, 3, 224, 224), dtype=jnp.float32)
    curves = jax.random.uniform(ks[1], (1, 4096, 3), dtype=jnp.float32, minval=-0.5, maxval=0.5)
    lines_array = jax.random.randint(ks[2], (1, 2048, 2), 0, 4096, dtype=jnp.int32)
    surfaces = jax.random.uniform(ks[3], (1, 8192, 3), dtype=jnp.float32, minval=-0.5, maxval=0.5)
    faces_array = jax.random.randint(ks[4], (1, 4096, 3), 0, 8192, dtype=jnp.int32)
    indices_array = jax.random.randint(ks[5], (1, 1024), 0, 8192, dtype=jnp.int32)
    return {"imgs": imgs, "curves": curves, "lines_array": lines_array,
            "surfaces": surfaces, "faces_array": faces_array, "indices_array": indices_array}


def reference(imgs, curves, lines_array, surfaces, faces_array, indices_array):
    key = jax.random.key(42)
    kl, kt = jax.random.split(key)
    curve_samples = batch_sample_lines(kl, curves, lines_array, NUM_SAMPLES_LINE)
    surface_samples = batch_sample_triangles(kt, surfaces, faces_array, NUM_SAMPLES_TRIANGLE)
    x = jnp.concatenate([curves, curve_samples, surfaces, surface_samples], axis=1)
    feat_pt = jnp.ones((x.shape[0], x.shape[1], 1), dtype=jnp.float32)
    cube256 = jnp.clip(x * 256 + 128.5, 0.0, 255.0)
    pts = cube256.astype(jnp.int32)
    feat_cell256 = point_to_cell(pts, feat_pt, 256, 256, 256)
    occupancy256 = max_pool3d_k3_s1_p2(feat_cell256)
    return (x, occupancy256)

if __name__ == "__main__":
    import jax
    _d = setup_inputs()
    print(jax.jit(kernel)(*tuple(_d.values())))

</pallas_src>

<mosaic_0001>
#map = affine_map<(d0, d1) -> (0)>
module attributes {stable_mosaic.version = 14 : i64} {
  func.func @_sc_fused_body(%arg0: i32, %arg1: i32, %arg2: memref<12288xf32, #tpu.memory_space<hbm>>, %arg3: memref<2048xi32, #tpu.memory_space<hbm>>, %arg4: memref<2048xi32, #tpu.memory_space<hbm>>, %arg5: memref<2048xi32, #tpu.memory_space<hbm>>, %arg6: memref<2048xf32, #tpu.memory_space<hbm>>, %arg7: memref<24576xf32, #tpu.memory_space<hbm>>, %arg8: memref<4096xi32, #tpu.memory_space<hbm>>, %arg9: memref<4096xi32, #tpu.memory_space<hbm>>, %arg10: memref<4096xi32, #tpu.memory_space<hbm>>, %arg11: memref<26112xi32, #tpu.memory_space<hbm>>, %arg12: memref<26112xf32, #tpu.memory_space<hbm>>, %arg13: memref<26112xf32, #tpu.memory_space<hbm>>, %arg14: memref<6144xf32, #tpu.memory_space<hbm>>, %arg15: memref<78336xf32, #tpu.memory_space<hbm>>, %arg16: memref<16777216xf32, #tpu.memory_space<hbm>>, %arg17: memref<12288xf32, #tpu.memory_space<vmem>>, %arg18: memref<2048xi32, #tpu.memory_space<vmem>>, %arg19: memref<2048xi32, #tpu.memory_space<vmem>>, %arg20: memref<128xi32, #tpu.memory_space<vmem>>, %arg21: memref<128xf32, #tpu.memory_space<vmem>>, %arg22: memref<24576xf32, #tpu.memory_space<vmem>>, %arg23: memref<4096xi32, #tpu.memory_space<vmem>>, %arg24: memref<4096xi32, #tpu.memory_space<vmem>>, %arg25: memref<4096xi32, #tpu.memory_space<vmem>>, %arg26: memref<1632xi32, #tpu.memory_space<vmem>>, %arg27: memref<1632xf32, #tpu.memory_space<vmem>>, %arg28: memref<1632xf32, #tpu.memory_space<vmem>>, %arg29: memref<1760xi32, #tpu.memory_space<vmem>>, %arg30: memref<384xf32, #tpu.memory_space<vmem>>, %arg31: memref<4896xf32, #tpu.memory_space<vmem>>, %arg32: memref<2560xi32, #tpu.memory_space<vmem>>, %arg33: memref<32768xf32, #tpu.memory_space<vmem>>, %arg34: memref<16xf32, #tpu.memory_space<vmem>>, %arg35: memref<!tpu.dma_semaphore, #tpu.memory_space<semaphore_mem>>, %arg36: memref<!tpu.dma_semaphore, #tpu.memory_space<semaphore_mem>>, %arg37: memref<!tpu.dma_semaphore, #tpu.memory_space<semaphore_mem>>) attributes {dimension_semantics = [#tpu.dimension_semantics<core_parallel>, #tpu.dimension_semantics<subcore_parallel>], iteration_bounds = array<i64: 2, 16>, scalar_prefetch = 0 : i64, scratch_operands = 21 : i64, tpu.core_type = #tpu.core_type<sc_vector_subcore>, window_params = [{transform_indices = #map}, {transform_indices = #map}, {transform_indices = #map}, {transform_indices = #map}, {transform_indices = #map}, {transform_indices = #map}, {transform_indices = #map}, {transform_indices = #map}, {transform_indices = #map}, {transform_indices = #map}, {transform_indices = #map}, {transform_indices = #map}, {transform_indices = #map}, {transform_indices = #map}, {transform_indices = #map}]} {
    %mul3A = arith.constant 16 : i32
    %mul3A_0 = arith.muli %arg0, %mul3A : i32
    %add3A = arith.addi %mul3A_0, %arg1 : i32
    %broadcast_in_dim3A = arith.constant 0.000000e+00 : f32
    %broadcast_in_dim3A_1 = vector.broadcast %broadcast_in_dim3A : f32 to vector<16xf32>
    %scan3A = arith.constant 0 : i32
    %scan3A_2 = arith.constant 0 : i32
    %scan3A_3 = arith.constant 2048 : i32
    %scan3A_4 = arith.addi %scan3A_2, %scan3A_3 : i32
    %scan3A_5 = arith.constant 1 : i32
    scf.for %scan3A_165 = %scan3A_2 to %scan3A_4 step %scan3A_5  : i32 {
      %mul3A_166 = arith.constant 16 : i32
      %mul3A_167 = arith.muli %scan3A_165, %mul3A_166 : i32
      %swap3A_168 = arith.index_cast %mul3A_167 : i32 to index
      %swap3A_169 = tpu.vector_load %arg33[%swap3A_168] {strides = array<i32>} : memref<32768xf32, #tpu.memory_space<vmem>>, vector<16xf32>,
      tpu.vector_store %arg33[%swap3A_168], %broadcast_in_dim3A_1 {strides = array<i32>} : memref<32768xf32, #tpu.memory_space<vmem>>, vector<16xf32>,
    }
    %scan3A_6 = arith.constant 2048 : i32
    %broadcast_in_dim3A_7 = arith.constant 1.000000e+00 : f32
    %broadcast_in_dim3A_8 = vector.broadcast %broadcast_in_dim3A_7 : f32 to vector<16xf32>
    %swap3A = arith.constant 0 : index
    %swap3A_9 = tpu.vector_load %arg34[%swap3A] {strides = array<i32>} : memref<16xf32, #tpu.memory_space<vmem>>, vector<16xf32>,
    tpu.vector_store %arg34[%swap3A], %broadcast_in_dim3A_8 {strides = array<i32>} : memref<16xf32, #tpu.memory_space<vmem>>, vector<16xf32>,
    %mul3A_10 = arith.constant 524288 : i32
    %mul3A_11 = arith.muli %add3A, %mul3A_10 : i32
    %add3A_12 = arith.constant 0 : i32
    %add3A_13 = arith.addi %mul3A_11, %add3A_12 : i32
    %dma_start3A = tpu.memref_slice %arg16[%add3A_13] : memref<16777216xf32, #tpu.memory_space<hbm>> -> memref<32768xf32, #tpu.memory_space<hbm>>
    %dma_start3A_14 = tpu.memref_slice %arg16[%add3A_13] : memref<16777216xf32, #tpu.memory_space<hbm>> -> memref<32768xf32, #tpu.memory_space<hbm>>
    tpu.enqueue_dma source(%arg33 : memref<32768xf32, #tpu.memory_space<vmem>>) target(%dma_start3A_14 : memref<32768xf32, #tpu.memory_space<hbm>>) target_semaphore(%arg35 : memref<!tpu.dma_semaphore, #tpu.memory_space<semaphore_mem>>)
    %add3A_15 = arith.constant 32768 : i32
    %add3A_16 = arith.addi %mul3A_11, %add3A_15 : i32
    %dma_start3A_17 = tpu.memref_slice %arg16[%add3A_16] : memref<16777216xf32, #tpu.memory_space<hbm>> -> memref<32768xf32, #tpu.memory_space<hbm>>
    %dma_start3A_18 = tpu.memref_slice %arg16[%add3A_16] : memref<16777216xf32, #tpu.memory_space<hbm>> -> memref<32768xf32, #tpu.memory_space<hbm>>
    tpu.enqueue_dma source(%arg33 : memref<32768xf32, #tpu.memory_space<vmem>>) target(%dma_start3A_18 : memref<32768xf32, #tpu.memory_space<hbm>>) target_semaphore(%arg35 : memref<!tpu.dma_semaphore, #tpu.memory_space<semaphore_mem>>)
    %add3A_19 = arith.constant 65536 : i32
    %add3A_20 = arith.addi %mul3A_11, %add3A_19 : i32
    %dma_start3A_21 = tpu.memref_slice %arg16[%add3A_20] : memref<16777216xf32, #tpu.memory_space<hbm>> -> memref<32768xf32, #tpu.memory_space<hbm>>
    %dma_start3A_22 = tpu.memref_slice %arg16[%add3A_20] : memref<16777216xf32, #tpu.memory_space<hbm>> -> memref<32768xf32, #tpu.memory_space<hbm>>
    tpu.enqueue_dma source(%arg33 : memref<32768xf32, #tpu.memory_space<vmem>>) target(%dma_start3A_22 : memref<32768xf32, #tpu.memory_space<hbm>>) target_semaphore(%arg35 : memref<!tpu.dma_semaphore, #tpu.memory_space<semaphore_mem>>)
    %add3A_23 = arith.constant 98304 : i32
    %add3A_24 = arith.addi %mul3A_11, %add3A_23 : i32
    %dma_start3A_25 = tpu.memref_slice %arg16[%add3A_24] : memref<16777216xf32, #tpu.memory_space<hbm>> -> memref<32768xf32, #tpu.memory_space<hbm>>
    %dma_start3A_26 = tpu.memref_slice %arg16[%add3A_24] : memref<16777216xf32, #tpu.memory_space<hbm>> -> memref<32768xf32, #tpu.memory_space<hbm>>
    tpu.enqueue_dma source(%arg33 : memref<32768xf32, #tpu.memory_space<vmem>>) target(%dma_start3A_26 : memref<32768xf32, #tpu.memory_space<hbm>>) target_semaphore(%arg35 : memref<!tpu.dma_semaphore, #tpu.memory_space<semaphore_mem>>)
    %add3A_27 = arith.constant 131072 : i32
    %add3A_28 = arith.addi %mul3A_11, %add3A_27 : i32
    %dma_start3A_29 = tpu.memref_slice %arg16[%add3A_28] : memref<16777216xf32, #tpu.memory_space<hbm>> -> memref<32768xf32, #tpu.memory_space<hbm>>
    %dma_start3A_30 = tpu.memref_slice %arg16[%add3A_28] : memref<16777216xf32, #tpu.memory_space<hbm>> -> memref<32768xf32, #tpu.memory_space<hbm>>
    tpu.enqueue_dma source(%arg33 : memref<32768xf32, #tpu.memory_space<vmem>>) target(%dma_start3A_30 : memref<32768xf32, #tpu.memory_space<hbm>>) target_semaphore(%arg35 : memref<!tpu.dma_semaphore, #tpu.memory_space<semaphore_mem>>)
    %add3A_31 = arith.constant 163840 : i32
    %add3A_32 = arith.addi %mul3A_11, %add3A_31 : i32
    %dma_start3A_33 = tpu.memref_slice %arg16[%add3A_32] : memref<16777216xf32, #tpu.memory_space<hbm>> -> memref<32768xf32, #tpu.memory_space<hbm>>
    %dma_start3A_34 = tpu.memref_slice %arg16[%add3A_32] : memref<16777216xf32, #tpu.memory_space<hbm>> -> memref<32768xf32, #tpu.memory_space<hbm>>
    tpu.enqueue_dma source(%arg33 : memref<32768xf32, #tpu.memory_space<vmem>>) target(%dma_start3A_34 : memref<32768xf32, #tpu.memory_space<hbm>>) target_semaphore(%arg35 : memref<!tpu.dma_semaphore, #tpu.memory_space<semaphore_mem>>)
    %add3A_35 = arith.constant 196608 : i32
    %add3A_36 = arith.addi %mul3A_11, %add3A_35 : i32
    %dma_start3A_37 = tpu.memref_slice %arg16[%add3A_36] : memref<16777216xf32, #tpu.memory_space<hbm>> -> memref<32768xf32, #tpu.memory_space<hbm>>
    %dma_start3A_38 = tpu.memref_slice %arg16[%add3A_36] : memref<16777216xf32, #tpu.memory_space<hbm>> -> memref<32768xf32, #tpu.memory_space<hbm>>
    tpu.enqueue_dma source(%arg33 : memref<32768xf32, #tpu.memory_space<vmem>>) target(%dma_start3A_38 : memref<32768xf32, #tpu.memory_space<hbm>>) target_semaphore(%arg35 : memref<!tpu.dma_semaphore, #tpu.memory_space<semaphore_mem>>)
    %add3A_39 = arith.constant 229376 : i32
    %add3A_40 = arith.addi %mul3A_11, %add3A_39 : i32
    %dma_start3A_41 = tpu.memref_slice %arg16[%add3A_40] : memref<16777216xf32, #tpu.memory_space<hbm>> -> memref<32768xf32, #tpu.memory_space<hbm>>
    %dma_start3A_42 = tpu.memref_slice %arg16[%add3A_40] : memref<16777216xf32, #tpu.memory_space<hbm>> -> memref<32768xf32, #tpu.memory_space<hbm>>
    tpu.enqueue_dma source(%arg33 : memref<32768xf32, #tpu.memory_space<vmem>>) target(%dma_start3A_42 : memref<32768xf32, #tpu.memory_space<hbm>>) target_semaphore(%arg35 : memref<!tpu.dma_semaphore, #tpu.memory_space<semaphore_mem>>)
    %add3A_43 = arith.constant 262144 : i32
    %add3A_44 = arith.addi %mul3A_11, %add3A_43 : i32
    %dma_start3A_45 = tpu.memref_slice %arg16[%add3A_44] : memref<16777216xf32, #tpu.memory_space<hbm>> -> memref<32768xf32, #tpu.memory_space<hbm>>
    %dma_start3A_46 = tpu.memref_slice %arg16[%add3A_44] : memref<16777216xf32, #tpu.memory_space<hbm>> -> memref<32768xf32, #tpu.memory_space<hbm>>
    tpu.enqueue_dma source(%arg33 : memref<32768xf32, #tpu.memory_space<vmem>>) target(%dma_start3A_46 : memref<32768xf32, #tpu.memory_space<hbm>>) target_semaphore(%arg35 : memref<!tpu.dma_semaphore, #tpu.memory_space<semaphore_mem>>)
    %add3A_47 = arith.constant 294912 : i32
    %add3A_48 = arith.addi %mul3A_11, %add3A_47 : i32
    %dma_start3A_49 = tpu.memref_slice %arg16[%add3A_48] : memref<16777216xf32, #tpu.memory_space<hbm>> -> memref<32768xf32, #tpu.memory_space<hbm>>
    %dma_start3A_50 = tpu.memref_slice %arg16[%add3A_48] : memref<16777216xf32, #tpu.memory_space<hbm>> -> memref<32768xf32, #tpu.memory_space<hbm>>
    tpu.enqueue_dma source(%arg33 : memref<32768xf32, #tpu.memory_space<vmem>>) target(%dma_start3A_50 : memref<32768xf32, #tpu.memory_space<hbm>>) target_semaphore(%arg35 : memref<!tpu.dma_semaphore, #tpu.memory_space<semaphore_mem>>)
    %add3A_51 = arith.constant 327680 : i32
    %add3A_52 = arith.addi %mul3A_11, %add3A_51 : i32
    %dma_start3A_53 = tpu.memref_slice %arg16[%add3A_52] : memref<16777216xf32, #tpu.memory_space<hbm>> -> memref<32768xf32, #tpu.memory_space<hbm>>
    %dma_start3A_54 = tpu.memref_slice %arg16[%add3A_52] : memref<16777216xf32, #tpu.memory_space<hbm>> -> memref<32768xf32, #tpu.memory_space<hbm>>
    tpu.enqueue_dma source(%arg33 : memref<32768xf32, #tpu.memory_space<vmem>>) target(%dma_start3A_54 : memref<32768xf32, #tpu.memory_space<hbm>>) target_semaphore(%arg35 : memref<!tpu.dma_semaphore, #tpu.memory_space<semaphore_mem>>)
    %add3A_55 = arith.constant 360448 : i32
    %add3A_56 = arith.addi %mul3A_11, %add3A_55 : i32
    %dma_start3A_57 = tpu.memref_slice %arg16[%add3A_56] : memref<16777216xf32, #tpu.memory_space<hbm>> -> memref<32768xf32, #tpu.memory_space<hbm>>
    %dma_start3A_58 = tpu.memref_slice %arg16[%add3A_56] : memref<16777216xf32, #tpu.memory_space<hbm>> -> memref<32768xf32, #tpu.memory_space<hbm>>
    tpu.enqueue_dma source(%arg33 : memref<32768xf32, #tpu.memory_space<vmem>>) target(%dma_start3A_58 : memref<32768xf32, #tpu.memory_space<hbm>>) target_semaphore(%arg35 : memref<!tpu.dma_semaphore, #tpu.memory_space<semaphore_mem>>)
    %add3A_59 = arith.constant 393216 : i32
    %add3A_60 = arith.addi %mul3A_11, %add3A_59 : i32
    %dma_start3A_61 = tpu.memref_slice %arg16[%add3A_60] : memref<16777216xf32, #tpu.memory_space<hbm>> -> memref<32768xf32, #tpu.memory_space<hbm>>
    %dma_start3A_62 = tpu.memref_slice %arg16[%add3A_60] : memref<16777216xf32, #tpu.memory_space<hbm>> -> memref<32768xf32, #tpu.memory_space<hbm>>
    tpu.enqueue_dma source(%arg33 : memref<32768xf32, #tpu.memory_space<vmem>>) target(%dma_start3A_62 : memref<32768xf32, #tpu.memory_space<hbm>>) target_semaphore(%arg35 : memref<!tpu.dma_semaphore, #tpu.memory_space<semaphore_mem>>)
    %add3A_63 = arith.constant 425984 : i32
    %add3A_64 = arith.addi %mul3A_11, %add3A_63 : i32
    %dma_start3A_65 = tpu.memref_slice %arg16[%add3A_64] : memref<16777216xf32, #tpu.memory_space<hbm>> -> memref<32768xf32, #tpu.memory_space<hbm>>
    %dma_start3A_66 = tpu.memref_slice %arg16[%add3A_64] : memref<16777216xf32, #tpu.memory_space<hbm>> -> memref<32768xf32, #tpu.memory_space<hbm>>
    tpu.enqueue_dma source(%arg33 : memref<32768xf32, #tpu.memory_space<vmem>>) target(%dma_start3A_66 : memref<32768xf32, #tpu.memory_space<hbm>>) target_semaphore(%arg35 : memref<!tpu.dma_semaphore, #tpu.memory_space<semaphore_mem>>)
    %add3A_67 = arith.constant 458752 : i32
    %add3A_68 = arith.addi %mul3A_11, %add3A_67 : i32
    %dma_start3A_69 = tpu.memref_slice %arg16[%add3A_68] : memref<16777216xf32, #tpu.memory_space<hbm>> -> memref<32768xf32, #tpu.memory_space<hbm>>
    %dma_start3A_70 = tpu.memref_slice %arg16[%add3A_68] : memref<16777216xf32, #tpu.memory_space<hbm>> -> memref<32768xf32, #tpu.memory_space<hbm>>
    tpu.enqueue_dma source(%arg33 : memref<32768xf32, #tpu.memory_space<vmem>>) target(%dma_start3A_70 : memref<32768xf32, #tpu.memory_space<hbm>>) target_semaphore(%arg35 : memref<!tpu.dma_semaphore, #tpu.memory_space<semaphore_mem>>)
    %add3A_71 = arith.constant 491520 : i32
    %add3A_72 = arith.addi %mul3A_11, %add3A_71 : i32
    %dma_start3A_73 = tpu.memref_slice %arg16[%add3A_72] : memref<16777216xf32, #tpu.memory_space<hbm>> -> memref<32768xf32, #tpu.memory_space<hbm>>
    %dma_start3A_74 = tpu.memref_slice %arg16[%add3A_72] : memref<16777216xf32, #tpu.memory_space<hbm>> -> memref<32768xf32, #tpu.memory_space<hbm>>
    tpu.enqueue_dma source(%arg33 : memref<32768xf32, #tpu.memory_space<vmem>>) target(%dma_start3A_74 : memref<32768xf32, #tpu.memory_space<hbm>>) target_semaphore(%arg35 : memref<!tpu.dma_semaphore, #tpu.memory_space<semaphore_mem>>)
    "tpu.region"() ({
      %run_scoped3A = tpu.sem_alloc : memref<!tpu.dma_semaphore, #tpu.memory_space<semaphore_mem>>
      tpu.enqueue_dma source(%arg2 : memref<12288xf32, #tpu.memory_space<hbm>>) target(%arg17 : memref<12288xf32, #tpu.memory_space<vmem>>) target_semaphore(%run_scoped3A : memref<!tpu.dma_semaphore, #tpu.memory_space<semaphore_mem>>)
      tpu.wait_dma2 semaphore(%run_scoped3A : memref<!tpu.dma_semaphore, #tpu.memory_space<semaphore_mem>>) src(%arg2 : memref<12288xf32, #tpu.memory_space<hbm>>) dst(%arg17 : memref<12288xf32, #tpu.memory_space<vmem>>)
      tpu.yield
    }) : () -> ()
    "tpu.region"() ({
      %run_scoped3A = tpu.sem_alloc : memref<!tpu.dma_semaphore, #tpu.memory_space<semaphore_mem>>
      tpu.enqueue_dma source(%arg3 : memref<2048xi32, #tpu.memory_space<hbm>>) target(%arg18 : memref<2048xi32, #tpu.memory_space<vmem>>) target_semaphore(%run_scoped3A : memref<!tpu.dma_semaphore, #tpu.memory_space<semaphore_mem>>)
      tpu.wait_dma2 semaphore(%run_scoped3A : memref<!tpu.dma_semaphore, #tpu.memory_space<semaphore_mem>>) src(%arg3 : memref<2048xi32, #tpu.memory_space<hbm>>) dst(%arg18 : memref<2048xi32, #tpu.memory_space<vmem>>)
      tpu.yield
    }) : () -> ()
    "tpu.region"() ({
      %run_scoped3A = tpu.sem_alloc : memref<!tpu.dma_semaphore, #tpu.memory_space<semaphore_mem>>
      tpu.enqueue_dma source(%arg4 : memref<2048xi32, #tpu.memory_space<hbm>>) target(%arg19 : memref<2048xi32, #tpu.memory_space<vmem>>) target_semaphore(%run_scoped3A : memref<!tpu.dma_semaphore, #tpu.memory_space<semaphore_mem>>)
      tpu.wait_dma2 semaphore(%run_scoped3A : memref<!tpu.dma_semaphore, #tpu.memory_space<semaphore_mem>>) src(%arg4 : memref<2048xi32, #tpu.memory_space<hbm>>) dst(%arg19 : memref<2048xi32, #tpu.memory_space<vmem>>)
      tpu.yield
    }) : () -> ()
    "tpu.region"() ({
      %run_scoped3A = tpu.sem_alloc : memref<!tpu.dma_semaphore, #tpu.memory_space<semaphore_mem>>
      tpu.enqueue_dma source(%arg7 : memref<24576xf32, #tpu.memory_space<hbm>>) target(%arg22 : memref<24576xf32, #tpu.memory_space<vmem>>) target_semaphore(%run_scoped3A : memref<!tpu.dma_semaphore, #tpu.memory_space<semaphore_mem>>)
      tpu.wait_dma2 semaphore(%run_scoped3A : memref<!tpu.dma_semaphore, #tpu.memory_space<semaphore_mem>>) src(%arg7 : memref<24576xf32, #tpu.memory_space<hbm>>) dst(%arg22 : memref<24576xf32, #tpu.memory_space<vmem>>)
      tpu.yield
    }) : () -> ()
    "tpu.region"() ({
      %run_scoped3A = tpu.sem_alloc : memref<!tpu.dma_semaphore, #tpu.memory_space<semaphore_mem>>
      tpu.enqueue_dma source(%arg8 : memref<4096xi32, #tpu.memory_space<hbm>>) target(%arg23 : memref<4096xi32, #tpu.memory_space<vmem>>) target_semaphore(%run_scoped3A : memref<!tpu.dma_semaphore, #tpu.memory_space<semaphore_mem>>)
      tpu.wait_dma2 semaphore(%run_scoped3A : memref<!tpu.dma_semaphore, #tpu.memory_space<semaphore_mem>>) src(%arg8 : memref<4096xi32, #tpu.memory_space<hbm>>) dst(%arg23 : memref<4096xi32, #tpu.memory_space<vmem>>)
      tpu.yield
    }) : () -> ()
    "tpu.region"() ({
      %run_scoped3A = tpu.sem_alloc : memref<!tpu.dma_semaphore, #tpu.memory_space<semaphore_mem>>
      tpu.enqueue_dma source(%arg9 : memref<4096xi32, #tpu.memory_space<hbm>>) target(%arg24 : memref<4096xi32, #tpu.memory_space<vmem>>) target_semaphore(%run_scoped3A : memref<!tpu.dma_semaphore, #tpu.memory_space<semaphore_mem>>)
      tpu.wait_dma2 semaphore(%run_scoped3A : memref<!tpu.dma_semaphore, #tpu.memory_space<semaphore_mem>>) src(%arg9 : memref<4096xi32, #tpu.memory_space<hbm>>) dst(%arg24 : memref<4096xi32, #tpu.memory_space<vmem>>)
      tpu.yield
    }) : () -> ()
    "tpu.region"() ({
      %run_scoped3A = tpu.sem_alloc : memref<!tpu.dma_semaphore, #tpu.memory_space<semaphore_mem>>
      tpu.enqueue_dma source(%arg10 : memref<4096xi32, #tpu.memory_space<hbm>>) target(%arg25 : memref<4096xi32, #tpu.memory_space<vmem>>) target_semaphore(%run_scoped3A : memref<!tpu.dma_semaphore, #tpu.memory_space<semaphore_mem>>)
      tpu.wait_dma2 semaphore(%run_scoped3A : memref<!tpu.dma_semaphore, #tpu.memory_space<semaphore_mem>>) src(%arg10 : memref<4096xi32, #tpu.memory_space<hbm>>) dst(%arg25 : memref<4096xi32, #tpu.memory_space<vmem>>)
      tpu.yield
    }) : () -> ()
    %mul3A_75 = arith.constant 128 : i32
    %mul3A_76 = arith.muli %arg1, %mul3A_75 : i32
    "tpu.region"() ({
      %run_scoped3A = tpu.sem_alloc : memref<!tpu.dma_semaphore, #tpu.memory_space<semaphore_mem>>
      %dma_start3A_165 = tpu.memref_slice %arg5[%mul3A_76] : memref<2048xi32, #tpu.memory_space<hbm>> -> memref<128xi32, #tpu.memory_space<hbm>>
      %dma_start3A_166 = tpu.memref_slice %arg5[%mul3A_76] : memref<2048xi32, #tpu.memory_space<hbm>> -> memref<128xi32, #tpu.memory_space<hbm>>
      tpu.enqueue_dma source(%dma_start3A_166 : memref<128xi32, #tpu.memory_space<hbm>>) target(%arg20 : memref<128xi32, #tpu.memory_space<vmem>>) target_semaphore(%run_scoped3A : memref<!tpu.dma_semaphore, #tpu.memory_space<semaphore_mem>>)
      %dma_wait3A_167 = tpu.memref_slice %arg5[%mul3A_76] : memref<2048xi32, #tpu.memory_space<hbm>> -> memref<128xi32, #tpu.memory_space<hbm>>
      %dma_wait3A_168 = tpu.memref_slice %arg5[%mul3A_76] : memref<2048xi32, #tpu.memory_space<hbm>> -> memref<128xi32, #tpu.memory_space<hbm>>
      tpu.wait_dma2 semaphore(%run_scoped3A : memref<!tpu.dma_semaphore, #tpu.memory_space<semaphore_mem>>) src(%dma_wait3A_168 : memref<128xi32, #tpu.memory_space<hbm>>) dst(%arg20 : memref<128xi32, #tpu.memory_space<vmem>>)
      tpu.yield
    }) : () -> ()
    %mul3A_77 = arith.constant 128 : i32
    %mul3A_78 = arith.muli %arg1, %mul3A_77 : i32
    "tpu.region"() ({
      %run_scoped3A = tpu.sem_alloc : memref<!tpu.dma_semaphore, #tpu.memory_space<semaphore_mem>>
      %dma_start3A_165 = tpu.memref_slice %arg6[%mul3A_78] : memref<2048xf32, #tpu.memory_space<hbm>> -> memref<128xf32, #tpu.memory_space<hbm>>
      %dma_start3A_166 = tpu.memref_slice %arg6[%mul3A_78] : memref<2048xf32, #tpu.memory_space<hbm>> -> memref<128xf32, #tpu.memory_space<hbm>>
      tpu.enqueue_dma source(%dma_start3A_166 : memref<128xf32, #tpu.memory_space<hbm>>) target(%arg21 : memref<128xf32, #tpu.memory_space<vmem>>) target_semaphore(%run_scoped3A : memref<!tpu.dma_semaphore, #tpu.memory_space<semaphore_mem>>)
      %dma_wait3A_167 = tpu.memref_slice %arg6[%mul3A_78] : memref<2048xf32, #tpu.memory_space<hbm>> -> memref<128xf32, #tpu.memory_space<hbm>>
      %dma_wait3A_168 = tpu.memref_slice %arg6[%mul3A_78] : memref<2048xf32, #tpu.memory_space<hbm>> -> memref<128xf32, #tpu.memory_space<hbm>>
      tpu.wait_dma2 semaphore(%run_scoped3A : memref<!tpu.dma_semaphore, #tpu.memory_space<semaphore_mem>>) src(%dma_wait3A_168 : memref<128xf32, #tpu.memory_space<hbm>>) dst(%arg21 : memref<128xf32, #tpu.memory_space<vmem>>)
      tpu.yield
    }) : () -> ()
    %mul3A_79 = arith.constant 1632 : i32
    %mul3A_80 = arith.muli %arg1, %mul3A_79 : i32
    "tpu.region"() ({
      %run_scoped3A = tpu.sem_alloc : memref<!tpu.dma_semaphore, #tpu.memory_space<semaphore_mem>>
      %dma_start3A_165 = tpu.memref_slice %arg11[%mul3A_80] : memref<26112xi32, #tpu.memory_space<hbm>> -> memref<1632xi32, #tpu.memory_space<hbm>>
      %dma_start3A_166 = tpu.memref_slice %arg11[%mul3A_80] : memref<26112xi32, #tpu.memory_space<hbm>> -> memref<1632xi32, #tpu.memory_space<hbm>>
      tpu.enqueue_dma source(%dma_start3A_166 : memref<1632xi32, #tpu.memory_space<hbm>>) target(%arg26 : memref<1632xi32, #tpu.memory_space<vmem>>) target_semaphore(%run_scoped3A : memref<!tpu.dma_semaphore, #tpu.memory_space<semaphore_mem>>)
      %dma_wait3A_167 = tpu.memref_slice %arg11[%mul3A_80] : memref<26112xi32, #tpu.memory_space<hbm>> -> memref<1632xi32, #tpu.memory_space<hbm>>
      %dma_wait3A_168 = tpu.memref_slice %arg11[%mul3A_80] : memref<26112xi32, #tpu.memory_space<hbm>> -> memref<1632xi32, #tpu.memory_space<hbm>>
      tpu.wait_dma2 semaphore(%run_scoped3A : memref<!tpu.dma_semaphore, #tpu.memory_space<semaphore_mem>>) src(%dma_wait3A_168 : memref<1632xi32, #tpu.memory_space<hbm>>) dst(%arg26 : memref<1632xi32, #tpu.memory_space<vmem>>)
      tpu.yield
    }) : () -> ()
    %mul3A_81 = arith.constant 1632 : i32
    %mul3A_82 = arith.muli %arg1, %mul3A_81 : i32
    "tpu.region"() ({
      %run_scoped3A = tpu.sem_alloc : memref<!tpu.dma_semaphore, #tpu.memory_space<semaphore_mem>>
      %dma_start3A_165 = tpu.memref_slice %arg12[%mul3A_82] : memref<26112xf32, #tpu.memory_space<hbm>> -> memref<1632xf32, #tpu.memory_space<hbm>>
      %dma_start3A_166 = tpu.memref_slice %arg12[%mul3A_82] : memref<26112xf32, #tpu.memory_space<hbm>> -> memref<1632xf32, #tpu.memory_space<hbm>>
      tpu.enqueue_dma source(%dma_start3A_166 : memref<1632xf32, #tpu.memory_space<hbm>>) target(%arg27 : memref<1632xf32, #tpu.memory_space<vmem>>) target_semaphore(%run_scoped3A : memref<!tpu.dma_semaphore, #tpu.memory_space<semaphore_mem>>)
      %dma_wait3A_167 = tpu.memref_slice %arg12[%mul3A_82] : memref<26112xf32, #tpu.memory_space<hbm>> -> memref<1632xf32, #tpu.memory_space<hbm>>
      %dma_wait3A_168 = tpu.memref_slice %arg12[%mul3A_82] : memref<26112xf32, #tpu.memory_space<hbm>> -> memref<1632xf32, #tpu.memory_space<hbm>>
      tpu.wait_dma2 semaphore(%run_scoped3A : memref<!tpu.dma_semaphore, #tpu.memory_space<semaphore_mem>>) src(%dma_wait3A_168 : memref<1632xf32, #tpu.memory_space<hbm>>) dst(%arg27 : memref<1632xf32, #tpu.memory_space<vmem>>)
      tpu.yield
    }) : () -> ()
    %mul3A_83 = arith.constant 1632 : i32
    %mul3A_84 = arith.muli %arg1, %mul3A_83 : i32
    "tpu.region"() ({
      %run_scoped3A = tpu.sem_alloc : memref<!tpu.dma_semaphore, #tpu.memory_space<semaphore_mem>>
      %dma_start3A_165 = tpu.memref_slice %arg13[%mul3A_84] : memref<26112xf32, #tpu.memory_space<hbm>> -> memref<1632xf32, #tpu.memory_space<hbm>>
      %dma_start3A_166 = tpu.memref_slice %arg13[%mul3A_84] : memref<26112xf32, #tpu.memory_space<hbm>> -> memref<1632xf32, #tpu.memory_space<hbm>>
      tpu.enqueue_dma source(%dma_start3A_166 : memref<1632xf32, #tpu.memory_space<hbm>>) target(%arg28 : memref<1632xf32, #tpu.memory_space<vmem>>) target_semaphore(%run_scoped3A : memref<!tpu.dma_semaphore, #tpu.memory_space<semaphore_mem>>)
      %dma_wait3A_167 = tpu.memref_slice %arg13[%mul3A_84] : memref<26112xf32, #tpu.memory_space<hbm>> -> memref<1632xf32, #tpu.memory_space<hbm>>
      %dma_wait3A_168 = tpu.memref_slice %arg13[%mul3A_84] : memref<26112xf32, #tpu.memory_space<hbm>> -> memref<1632xf32, #tpu.memory_space<hbm>>
      tpu.wait_dma2 semaphore(%run_scoped3A : memref<!tpu.dma_semaphore, #tpu.memory_space<semaphore_mem>>) src(%dma_wait3A_168 : memref<1632xf32, #tpu.memory_space<hbm>>) dst(%arg28 : memref<1632xf32, #tpu.memory_space<vmem>>)
      tpu.yield
    }) : () -> ()
    %scan3A_85 = arith.constant 0 : i32
    %scan3A_86 = arith.constant 0 : i32
    %scan3A_87 = arith.constant 8 : i32
    %scan3A_88 = arith.addi %scan3A_86, %scan3A_87 : i32
    %scan3A_89 = arith.constant 1 : i32
    scf.for %scan3A_165 = %scan3A_86 to %scan3A_88 step %scan3A_89  : i32 {
      %mul3A_166 = arith.constant 16 : i32
      %mul3A_167 = arith.muli %scan3A_165, %mul3A_166 : i32
      %get3A = arith.index_cast %mul3A_167 : i32 to index
      %get3A_168 = tpu.vector_load %arg20[%get3A] {strides = array<i32>} : memref<128xi32, #tpu.memory_space<vmem>>, vector<16xi32>,
      %mul3A_169 = arith.constant 16 : i32
      %mul3A_170 = arith.muli %scan3A_165, %mul3A_169 : i32
      %get3A_171 = arith.index_cast %mul3A_170 : i32 to index
      %get3A_172 = tpu.vector_load %arg21[%get3A_171] {strides = array<i32>} : memref<128xf32, #tpu.memory_space<vmem>>, vector<16xf32>,
      %gather3A = tpu.vector_load_idx %arg18[%get3A_168] : memref<2048xi32, #tpu.memory_space<vmem>>[vector<16xi32>], vector<16xi32>,
      %mul3A_173 = arith.constant 3 : i32
      %mul3A_174 = vector.broadcast %mul3A_173 : i32 to vector<16xi32>
      %mul3A_175 = arith.muli %gather3A, %mul3A_174 : vector<16xi32>
      %gather3A_176 = tpu.vector_load_idx %arg19[%get3A_168] : memref<2048xi32, #tpu.memory_space<vmem>>[vector<16xi32>], vector<16xi32>,
      %mul3A_177 = arith.constant 3 : i32
      %mul3A_178 = vector.broadcast %mul3A_177 : i32 to vector<16xi32>
      %mul3A_179 = arith.muli %gather3A_176, %mul3A_178 : vector<16xi32>
      %add3A_180 = arith.constant 0 : i32
      %add3A_181 = vector.broadcast %add3A_180 : i32 to vector<16xi32>
      %add3A_182 = arith.addi %mul3A_175, %add3A_181 : vector<16xi32>
      %gather3A_183 = tpu.vector_load_idx %arg17[%add3A_182] : memref<12288xf32, #tpu.memory_space<vmem>>[vector<16xi32>], vector<16xf32>,
      %add3A_184 = arith.constant 0 : i32
      %add3A_185 = vector.broadcast %add3A_184 : i32 to vector<16xi32>
      %add3A_186 = arith.addi %mul3A_179, %add3A_185 : vector<16xi32>
      %gather3A_187 = tpu.vector_load_idx %arg17[%add3A_186] : memref<12288xf32, #tpu.memory_space<vmem>>[vector<16xi32>], vector<16xf32>,
      %sub3A = arith.subf %gather3A_187, %gather3A_183 : vector<16xf32>
      %mul3A_188 = arith.mulf %get3A_172, %sub3A : vector<16xf32>
      %add3A_189 = arith.addf %gather3A_183, %mul3A_188 : vector<16xf32>
      %mul3A_190 = arith.constant 16 : i32
      %mul3A_191 = arith.muli %scan3A_165, %mul3A_190 : i32
      %add3A_192 = arith.constant 0 : i32
      %add3A_193 = arith.addi %add3A_192, %mul3A_191 : i32
      %swap3A_194 = arith.index_cast %add3A_193 : i32 to index
      %swap3A_195 = tpu.vector_load %arg30[%swap3A_194] {strides = array<i32>} : memref<384xf32, #tpu.memory_space<vmem>>, vector<16xf32>,
      tpu.vector_store %arg30[%swap3A_194], %add3A_189 {strides = array<i32>} : memref<384xf32, #tpu.memory_space<vmem>>, vector<16xf32>,
      %add3A_196 = arith.constant 1 : i32
      %add3A_197 = vector.broadcast %add3A_196 : i32 to vector<16xi32>
      %add3A_198 = arith.addi %mul3A_175, %add3A_197 : vector<16xi32>
      %gather3A_199 = tpu.vector_load_idx %arg17[%add3A_198] : memref<12288xf32, #tpu.memory_space<vmem>>[vector<16xi32>], vector<16xf32>,
      %add3A_200 = arith.constant 1 : i32
      %add3A_201 = vector.broadcast %add3A_200 : i32 to vector<16xi32>
      %add3A_202 = arith.addi %mul3A_179, %add3A_201 : vector<16xi32>
      %gather3A_203 = tpu.vector_load_idx %arg17[%add3A_202] : memref<12288xf32, #tpu.memory_space<vmem>>[vector<16xi32>], vector<16xf32>,
      %sub3A_204 = arith.subf %gather3A_203, %gather3A_199 : vector<16xf32>
      %mul3A_205 = arith.mulf %get3A_172, %sub3A_204 : vector<16xf32>
      %add3A_206 = arith.addf %gather3A_199, %mul3A_205 : vector<16xf32>
      %mul3A_207 = arith.constant 16 : i32
      %mul3A_208 = arith.muli %scan3A_165, %mul3A_207 : i32
      %add3A_209 = arith.constant 128 : i32
      %add3A_210 = arith.addi %add3A_209, %mul3A_208 : i32
      %swap3A_211 = arith.index_cast %add3A_210 : i32 to index
      %swap3A_212 = tpu.vector_load %arg30[%swap3A_211] {strides = array<i32>} : memref<384xf32, #tpu.memory_space<vmem>>, vector<16xf32>,
      tpu.vector_store %arg30[%swap3A_211], %add3A_206 {strides = array<i32>} : memref<384xf32, #tpu.memory_space<vmem>>, vector<16xf32>,
      %add3A_213 = arith.constant 2 : i32
      %add3A_214 = vector.broadcast %add3A_213 : i32 to vector<16xi32>
      %add3A_215 = arith.addi %mul3A_175, %add3A_214 : vector<16xi32>
      %gather3A_216 = tpu.vector_load_idx %arg17[%add3A_215] : memref<12288xf32, #tpu.memory_space<vmem>>[vector<16xi32>], vector<16xf32>,
      %add3A_217 = arith.constant 2 : i32
      %add3A_218 = vector.broadcast %add3A_217 : i32 to vector<16xi32>
      %add3A_219 = arith.addi %mul3A_179, %add3A_218 : vector<16xi32>
      %gather3A_220 = tpu.vector_load_idx %arg17[%add3A_219] : memref<12288xf32, #tpu.memory_space<vmem>>[vector<16xi32>], vector<16xf32>,
      %sub3A_221 = arith.subf %gather3A_220, %gather3A_216 : vector<16xf32>
      %mul3A_222 = arith.mulf %get3A_172, %sub3A_221 : vector<16xf32>
      %add3A_223 = arith.addf %gather3A_216, %mul3A_222 : vector<16xf32>
      %mul3A_224 = arith.constant 16 : i32
      %mul3A_225 = arith.muli %scan3A_165, %mul3A_224 : i32
      %add3A_226 = arith.constant 256 : i32
      %add3A_227 = arith.addi %add3A_226, %mul3A_225 : i32
      %swap3A_228 = arith.index_cast %add3A_227 : i32 to index
      %swap3A_229 = tpu.vector_load %arg30[%swap3A_228] {strides = array<i32>} : memref<384xf32, #tpu.memory_space<vmem>>, vector<16xf32>,
      tpu.vector_store %arg30[%swap3A_228], %add3A_223 {strides = array<i32>} : memref<384xf32, #tpu.memory_space<vmem>>, vector<16xf32>,
      %mul3A_230 = arith.constant 2.560000e+02 : f32
      %mul3A_231 = vector.broadcast %mul3A_230 : f32 to vector<16xf32>
      %mul3A_232 = arith.mulf %add3A_189, %mul3A_231 : vector<16xf32>
      %add3A_233 = arith.constant 1.285000e+02 : f32
      %add3A_234 = vector.broadcast %add3A_233 : f32 to vector<16xf32>
      %add3A_235 = arith.addf %mul3A_232, %add3A_234 : vector<16xf32>
      %jit3A = arith.constant 0.000000e+00 : f32
      %jit3A_236 = arith.constant 2.550000e+02 : f32
      %max3A = vector.broadcast %jit3A : f32 to vector<16xf32>
      %max3A_237 = arith.maximumf %max3A, %add3A_235 : vector<16xf32>
      %min3A = vector.broadcast %jit3A_236 : f32 to vector<16xf32>
      %min3A_238 = arith.minimumf %min3A, %max3A_237 : vector<16xf32>
      %convert_element_type3A_239 = arith.fptosi %min3A_238 : vector<16xf32> to vector<16xi32>
      %mul3A_240 = arith.constant 2.560000e+02 : f32
      %mul3A_241 = vector.broadcast %mul3A_240 : f32 to vector<16xf32>
      %mul3A_242 = arith.mulf %add3A_206, %mul3A_241 : vector<16xf32>
      %add3A_243 = arith.constant 1.285000e+02 : f32
      %add3A_244 = vector.broadcast %add3A_243 : f32 to vector<16xf32>
      %add3A_245 = arith.addf %mul3A_242, %add3A_244 : vector<16xf32>
      %jit3A_246 = arith.constant 0.000000e+00 : f32
      %jit3A_247 = arith.constant 2.550000e+02 : f32
      %max3A_248 = vector.broadcast %jit3A_246 : f32 to vector<16xf32>
      %max3A_249 = arith.maximumf %max3A_248, %add3A_245 : vector<16xf32>
      %min3A_250 = vector.broadcast %jit3A_247 : f32 to vector<16xf32>
      %min3A_251 = arith.minimumf %min3A_250, %max3A_249 : vector<16xf32>
      %convert_element_type3A_252 = arith.fptosi %min3A_251 : vector<16xf32> to vector<16xi32>
      %mul3A_253 = arith.constant 2.560000e+02 : f32
      %mul3A_254 = vector.broadcast %mul3A_253 : f32 to vector<16xf32>
      %mul3A_255 = arith.mulf %add3A_223, %mul3A_254 : vector<16xf32>
      %add3A_256 = arith.constant 1.285000e+02 : f32
      %add3A_257 = vector.broadcast %add3A_256 : f32 to vector<16xf32>
      %add3A_258 = arith.addf %mul3A_255, %add3A_257 : vector<16xf32>
      %jit3A_259 = arith.constant 0.000000e+00 : f32
      %jit3A_260 = arith.constant 2.550000e+02 : f32
      %max3A_261 = vector.broadcast %jit3A_259 : f32 to vector<16xf32>
      %max3A_262 = arith.maximumf %max3A_261, %add3A_258 : vector<16xf32>
      %min3A_263 = vector.broadcast %jit3A_260 : f32 to vector<16xf32>
      %min3A_264 = arith.minimumf %min3A_263, %max3A_262 : vector<16xf32>
      %convert_element_type3A_265 = arith.fptosi %min3A_264 : vector<16xf32> to vector<16xi32>
      %mul3A_266 = arith.constant 256 : i32
      %mul3A_267 = vector.broadcast %mul3A_266 : i32 to vector<16xi32>
      %mul3A_268 = arith.muli %convert_element_type3A_239, %mul3A_267 : vector<16xi32>
      %add3A_269 = arith.addi %mul3A_268, %convert_element_type3A_252 : vector<16xi32>
      %mul3A_270 = arith.constant 256 : i32
      %mul3A_271 = vector.broadcast %mul3A_270 : i32 to vector<16xi32>
      %mul3A_272 = arith.muli %add3A_269, %mul3A_271 : vector<16xi32>
      %add3A_273 = arith.addi %mul3A_272, %convert_element_type3A_265 : vector<16xi32>
      %mul3A_274 = arith.constant 16 : i32
      %mul3A_275 = arith.muli %scan3A_165, %mul3A_274 : i32
      %swap3A_276 = arith.index_cast %mul3A_275 : i32 to index
      %swap3A_277 = tpu.vector_load %arg29[%swap3A_276] {strides = array<i32>} : memref<1760xi32, #tpu.memory_space<vmem>>, vector<16xi32>,
      tpu.vector_store %arg29[%swap3A_276], %add3A_273 {strides = array<i32>} : memref<1760xi32, #tpu.memory_space<vmem>>, vector<16xi32>,
    }
    %scan3A_90 = arith.constant 8 : i32
    %mul3A_91 = arith.constant 3 : i32
    %mul3A_92 = arith.muli %arg1, %mul3A_91 : i32
    %mul3A_93 = arith.constant 128 : i32
    %mul3A_94 = arith.muli %mul3A_92, %mul3A_93 : i32
    %dma_start3A_95 = tpu.memref_slice %arg14[%mul3A_94] : memref<6144xf32, #tpu.memory_space<hbm>> -> memref<384xf32, #tpu.memory_space<hbm>>
    %dma_start3A_96 = tpu.memref_slice %arg14[%mul3A_94] : memref<6144xf32, #tpu.memory_space<hbm>> -> memref<384xf32, #tpu.memory_space<hbm>>
    tpu.enqueue_dma source(%arg30 : memref<384xf32, #tpu.memory_space<vmem>>) target(%dma_start3A_96 : memref<384xf32, #tpu.memory_space<hbm>>) target_semaphore(%arg37 : memref<!tpu.dma_semaphore, #tpu.memory_space<semaphore_mem>>)
    %scan3A_97 = arith.constant 0 : i32
    %scan3A_98 = arith.constant 0 : i32
    %scan3A_99 = arith.constant 102 : i32
    %scan3A_100 = arith.addi %scan3A_98, %scan3A_99 : i32
    %scan3A_101 = arith.constant 1 : i32
    scf.for %scan3A_165 = %scan3A_98 to %scan3A_100 step %scan3A_101  : i32 {
      %mul3A_166 = arith.constant 16 : i32
      %mul3A_167 = arith.muli %scan3A_165, %mul3A_166 : i32
      %get3A = arith.index_cast %mul3A_167 : i32 to index
      %get3A_168 = tpu.vector_load %arg26[%get3A] {strides = array<i32>} : memref<1632xi32, #tpu.memory_space<vmem>>, vector<16xi32>,
      %mul3A_169 = arith.constant 16 : i32
      %mul3A_170 = arith.muli %scan3A_165, %mul3A_169 : i32
      %get3A_171 = arith.index_cast %mul3A_170 : i32 to index
      %get3A_172 = tpu.vector_load %arg27[%get3A_171] {strides = array<i32>} : memref<1632xf32, #tpu.memory_space<vmem>>, vector<16xf32>,
      %mul3A_173 = arith.constant 16 : i32
      %mul3A_174 = arith.muli %scan3A_165, %mul3A_173 : i32
      %get3A_175 = arith.index_cast %mul3A_174 : i32 to index
      %get3A_176 = tpu.vector_load %arg28[%get3A_175] {strides = array<i32>} : memref<1632xf32, #tpu.memory_space<vmem>>, vector<16xf32>,
      %gather3A = tpu.vector_load_idx %arg23[%get3A_168] : memref<4096xi32, #tpu.memory_space<vmem>>[vector<16xi32>], vector<16xi32>,
      %mul3A_177 = arith.constant 3 : i32
      %mul3A_178 = vector.broadcast %mul3A_177 : i32 to vector<16xi32>
      %mul3A_179 = arith.muli %gather3A, %mul3A_178 : vector<16xi32>
      %gather3A_180 = tpu.vector_load_idx %arg24[%get3A_168] : memref<4096xi32, #tpu.memory_space<vmem>>[vector<16xi32>], vector<16xi32>,
      %mul3A_181 = arith.constant 3 : i32
      %mul3A_182 = vector.broadcast %mul3A_181 : i32 to vector<16xi32>
      %mul3A_183 = arith.muli %gather3A_180, %mul3A_182 : vector<16xi32>
      %gather3A_184 = tpu.vector_load_idx %arg25[%get3A_168] : memref<4096xi32, #tpu.memory_space<vmem>>[vector<16xi32>], vector<16xi32>,
      %mul3A_185 = arith.constant 3 : i32
      %mul3A_186 = vector.broadcast %mul3A_185 : i32 to vector<16xi32>
      %mul3A_187 = arith.muli %gather3A_184, %mul3A_186 : vector<16xi32>
      %add3A_188 = arith.constant 0 : i32
      %add3A_189 = vector.broadcast %add3A_188 : i32 to vector<16xi32>
      %add3A_190 = arith.addi %mul3A_179, %add3A_189 : vector<16xi32>
      %gather3A_191 = tpu.vector_load_idx %arg22[%add3A_190] : memref<24576xf32, #tpu.memory_space<vmem>>[vector<16xi32>], vector<16xf32>,
      %add3A_192 = arith.constant 0 : i32
      %add3A_193 = vector.broadcast %add3A_192 : i32 to vector<16xi32>
      %add3A_194 = arith.addi %mul3A_183, %add3A_193 : vector<16xi32>
      %gather3A_195 = tpu.vector_load_idx %arg22[%add3A_194] : memref<24576xf32, #tpu.memory_space<vmem>>[vector<16xi32>], vector<16xf32>,
      %add3A_196 = arith.constant 0 : i32
      %add3A_197 = vector.broadcast %add3A_196 : i32 to vector<16xi32>
      %add3A_198 = arith.addi %mul3A_187, %add3A_197 : vector<16xi32>
      %gather3A_199 = tpu.vector_load_idx %arg22[%add3A_198] : memref<24576xf32, #tpu.memory_space<vmem>>[vector<16xi32>], vector<16xf32>,
      %sub3A = arith.subf %gather3A_195, %gather3A_191 : vector<16xf32>
      %mul3A_200 = arith.mulf %get3A_172, %sub3A : vector<16xf32>
      %add3A_201 = arith.addf %gather3A_191, %mul3A_200 : vector<16xf32>
      %sub3A_202 = arith.subf %gather3A_199, %gather3A_191 : vector<16xf32>
      %mul3A_203 = arith.mulf %get3A_176, %sub3A_202 : vector<16xf32>
      %add3A_204 = arith.addf %add3A_201, %mul3A_203 : vector<16xf32>
      %mul3A_205 = arith.constant 16 : i32
      %mul3A_206 = arith.muli %scan3A_165, %mul3A_205 : i32
      %add3A_207 = arith.constant 0 : i32
      %add3A_208 = arith.addi %add3A_207, %mul3A_206 : i32
      %swap3A_209 = arith.index_cast %add3A_208 : i32 to index
      %swap3A_210 = tpu.vector_load %arg31[%swap3A_209] {strides = array<i32>} : memref<4896xf32, #tpu.memory_space<vmem>>, vector<16xf32>,
      tpu.vector_store %arg31[%swap3A_209], %add3A_204 {strides = array<i32>} : memref<4896xf32, #tpu.memory_space<vmem>>, vector<16xf32>,
      %add3A_211 = arith.constant 1 : i32
      %add3A_212 = vector.broadcast %add3A_211 : i32 to vector<16xi32>
      %add3A_213 = arith.addi %mul3A_179, %add3A_212 : vector<16xi32>
      %gather3A_214 = tpu.vector_load_idx %arg22[%add3A_213] : memref<24576xf32, #tpu.memory_space<vmem>>[vector<16xi32>], vector<16xf32>,
      %add3A_215 = arith.constant 1 : i32
      %add3A_216 = vector.broadcast %add3A_215 : i32 to vector<16xi32>
      %add3A_217 = arith.addi %mul3A_183, %add3A_216 : vector<16xi32>
      %gather3A_218 = tpu.vector_load_idx %arg22[%add3A_217] : memref<24576xf32, #tpu.memory_space<vmem>>[vector<16xi32>], vector<16xf32>,
      %add3A_219 = arith.constant 1 : i32
      %add3A_220 = vector.broadcast %add3A_219 : i32 to vector<16xi32>
      %add3A_221 = arith.addi %mul3A_187, %add3A_220 : vector<16xi32>
      %gather3A_222 = tpu.vector_load_idx %arg22[%add3A_221] : memref<24576xf32, #tpu.memory_space<vmem>>[vector<16xi32>], vector<16xf32>,
      %sub3A_223 = arith.subf %gather3A_218, %gather3A_214 : vector<16xf32>
      %mul3A_224 = arith.mulf %get3A_172, %sub3A_223 : vector<16xf32>
      %add3A_225 = arith.addf %gather3A_214, %mul3A_224 : vector<16xf32>
      %sub3A_226 = arith.subf %gather3A_222, %gather3A_214 : vector<16xf32>
      %mul3A_227 = arith.mulf %get3A_176, %sub3A_226 : vector<16xf32>
      %add3A_228 = arith.addf %add3A_225, %mul3A_227 : vector<16xf32>
      %mul3A_229 = arith.constant 16 : i32
      %mul3A_230 = arith.muli %scan3A_165, %mul3A_229 : i32
      %add3A_231 = arith.constant 1632 : i32
      %add3A_232 = arith.addi %add3A_231, %mul3A_230 : i32
      %swap3A_233 = arith.index_cast %add3A_232 : i32 to index
      %swap3A_234 = tpu.vector_load %arg31[%swap3A_233] {strides = array<i32>} : memref<4896xf32, #tpu.memory_space<vmem>>, vector<16xf32>,
      tpu.vector_store %arg31[%swap3A_233], %add3A_228 {strides = array<i32>} : memref<4896xf32, #tpu.memory_space<vmem>>, vector<16xf32>,
      %add3A_235 = arith.constant 2 : i32
      %add3A_236 = vector.broadcast %add3A_235 : i32 to vector<16xi32>
      %add3A_237 = arith.addi %mul3A_179, %add3A_236 : vector<16xi32>
      %gather3A_238 = tpu.vector_load_idx %arg22[%add3A_237] : memref<24576xf32, #tpu.memory_space<vmem>>[vector<16xi32>], vector<16xf32>,
      %add3A_239 = arith.constant 2 : i32
      %add3A_240 = vector.broadcast %add3A_239 : i32 to vector<16xi32>
      %add3A_241 = arith.addi %mul3A_183, %add3A_240 : vector<16xi32>
      %gather3A_242 = tpu.vector_load_idx %arg22[%add3A_241] : memref<24576xf32, #tpu.memory_space<vmem>>[vector<16xi32>], vector<16xf32>,
      %add3A_243 = arith.constant 2 : i32
      %add3A_244 = vector.broadcast %add3A_243 : i32 to vector<16xi32>
      %add3A_245 = arith.addi %mul3A_187, %add3A_244 : vector<16xi32>
      %gather3A_246 = tpu.vector_load_idx %arg22[%add3A_245] : memref<24576xf32, #tpu.memory_space<vmem>>[vector<16xi32>], vector<16xf32>,
      %sub3A_247 = arith.subf %gather3A_242, %gather3A_238 : vector<16xf32>
      %mul3A_248 = arith.mulf %get3A_172, %sub3A_247 : vector<16xf32>
      %add3A_249 = arith.addf %gather3A_238, %mul3A_248 : vector<16xf32>
      %sub3A_250 = arith.subf %gather3A_246, %gather3A_238 : vector<16xf32>
      %mul3A_251 = arith.mulf %get3A_176, %sub3A_250 : vector<16xf32>
      %add3A_252 = arith.addf %add3A_249, %mul3A_251 : vector<16xf32>
      %mul3A_253 = arith.constant 16 : i32
      %mul3A_254 = arith.muli %scan3A_165, %mul3A_253 : i32
      %add3A_255 = arith.constant 3264 : i32
      %add3A_256 = arith.addi %add3A_255, %mul3A_254 : i32
      %swap3A_257 = arith.index_cast %add3A_256 : i32 to index
      %swap3A_258 = tpu.vector_load %arg31[%swap3A_257] {strides = array<i32>} : memref<4896xf32, #tpu.memory_space<vmem>>, vector<16xf32>,
      tpu.vector_store %arg31[%swap3A_257], %add3A_252 {strides = array<i32>} : memref<4896xf32, #tpu.memory_space<vmem>>, vector<16xf32>,
      %mul3A_259 = arith.constant 2.560000e+02 : f32
      %mul3A_260 = vector.broadcast %mul3A_259 : f32 to vector<16xf32>
      %mul3A_261 = arith.mulf %add3A_204, %mul3A_260 : vector<16xf32>
      %add3A_262 = arith.constant 1.285000e+02 : f32
      %add3A_263 = vector.broadcast %add3A_262 : f32 to vector<16xf32>
      %add3A_264 = arith.addf %mul3A_261, %add3A_263 : vector<16xf32>
      %jit3A = arith.constant 0.000000e+00 : f32
      %jit3A_265 = arith.constant 2.550000e+02 : f32
      %max3A = vector.broadcast %jit3A : f32 to vector<16xf32>
      %max3A_266 = arith.maximumf %max3A, %add3A_264 : vector<16xf32>
      %min3A = vector.broadcast %jit3A_265 : f32 to vector<16xf32>
      %min3A_267 = arith.minimumf %min3A, %max3A_266 : vector<16xf32>
      %convert_element_type3A_268 = arith.fptosi %min3A_267 : vector<16xf32> to vector<16xi32>
      %mul3A_269 = arith.constant 2.560000e+02 : f32
      %mul3A_270 = vector.broadcast %mul3A_269 : f32 to vector<16xf32>
      %mul3A_271 = arith.mulf %add3A_228, %mul3A_270 : vector<16xf32>
      %add3A_272 = arith.constant 1.285000e+02 : f32
      %add3A_273 = vector.broadcast %add3A_272 : f32 to vector<16xf32>
      %add3A_274 = arith.addf %mul3A_271, %add3A_273 : vector<16xf32>
      %jit3A_275 = arith.constant 0.000000e+00 : f32
      %jit3A_276 = arith.constant 2.550000e+02 : f32
      %max3A_277 = vector.broadcast %jit3A_275 : f32 to vector<16xf32>
      %max3A_278 = arith.maximumf %max3A_277, %add3A_274 : vector<16xf32>
      %min3A_279 = vector.broadcast %jit3A_276 : f32 to vector<16xf32>
      %min3A_280 = arith.minimumf %min3A_279, %max3A_278 : vector<16xf32>
      %convert_element_type3A_281 = arith.fptosi %min3A_280 : vector<16xf32> to vector<16xi32>
      %mul3A_282 = arith.constant 2.560000e+02 : f32
      %mul3A_283 = vector.broadcast %mul3A_282 : f32 to vector<16xf32>
      %mul3A_284 = arith.mulf %add3A_252, %mul3A_283 : vector<16xf32>
      %add3A_285 = arith.constant 1.285000e+02 : f32
      %add3A_286 = vector.broadcast %add3A_285 : f32 to vector<16xf32>
      %add3A_287 = arith.addf %mul3A_284, %add3A_286 : vector<16xf32>
      %jit3A_288 = arith.constant 0.000000e+00 : f32
      %jit3A_289 = arith.constant 2.550000e+02 : f32
      %max3A_290 = vector.broadcast %jit3A_288 : f32 to vector<16xf32>
      %max3A_291 = arith.maximumf %max3A_290, %add3A_287 : vector<16xf32>
      %min3A_292 = vector.broadcast %jit3A_289 : f32 to vector<16xf32>
      %min3A_293 = arith.minimumf %min3A_292, %max3A_291 : vector<16xf32>
      %convert_element_type3A_294 = arith.fptosi %min3A_293 : vector<16xf32> to vector<16xi32>
      %mul3A_295 = arith.constant 256 : i32
      %mul3A_296 = vector.broadcast %mul3A_295 : i32 to vector<16xi32>
      %mul3A_297 = arith.muli %convert_element_type3A_268, %mul3A_296 : vector<16xi32>
      %add3A_298 = arith.addi %mul3A_297, %convert_element_type3A_281 : vector<16xi32>
      %mul3A_299 = arith.constant 256 : i32
      %mul3A_300 = vector.broadcast %mul3A_299 : i32 to vector<16xi32>
      %mul3A_301 = arith.muli %add3A_298, %mul3A_300 : vector<16xi32>
      %add3A_302 = arith.addi %mul3A_301, %convert_element_type3A_294 : vector<16xi32>
      %mul3A_303 = arith.constant 16 : i32
      %mul3A_304 = arith.muli %scan3A_165, %mul3A_303 : i32
      %add3A_305 = arith.constant 128 : i32
      %add3A_306 = arith.addi %add3A_305, %mul3A_304 : i32
      %swap3A_307 = arith.index_cast %add3A_306 : i32 to index
      %swap3A_308 = tpu.vector_load %arg29[%swap3A_307] {strides = array<i32>} : memref<1760xi32, #tpu.memory_space<vmem>>, vector<16xi32>,
      tpu.vector_store %arg29[%swap3A_307], %add3A_302 {strides = array<i32>} : memref<1760xi32, #tpu.memory_space<vmem>>, vector<16xi32>,
    }
    %scan3A_102 = arith.constant 102 : i32
    %mul3A_103 = arith.constant 3 : i32
    %mul3A_104 = arith.muli %arg1, %mul3A_103 : i32
    %mul3A_105 = arith.constant 1632 : i32
    %mul3A_106 = arith.muli %mul3A_104, %mul3A_105 : i32
    %dma_start3A_107 = tpu.memref_slice %arg15[%mul3A_106] : memref<78336xf32, #tpu.memory_space<hbm>> -> memref<4896xf32, #tpu.memory_space<hbm>>
    %dma_start3A_108 = tpu.memref_slice %arg15[%mul3A_106] : memref<78336xf32, #tpu.memory_space<hbm>> -> memref<4896xf32, #tpu.memory_space<hbm>>
    tpu.enqueue_dma source(%arg31 : memref<4896xf32, #tpu.memory_space<vmem>>) target(%dma_start3A_108 : memref<4896xf32, #tpu.memory_space<hbm>>) target_semaphore(%arg37 : memref<!tpu.dma_semaphore, #tpu.memory_space<semaphore_mem>>)
    %iota3A = tpu.iota {dimensions = array<i32: 0>} : vector<16xi32>
    %scan3A_109 = arith.constant 0 : i32
    %scan3A_110 = arith.constant 0 : i32
    %scan3A_111 = arith.constant 16 : i32
    %scan3A_112 = arith.addi %scan3A_110, %scan3A_111 : i32
    %scan3A_113 = arith.constant 1 : i32
    %scan3A_114 = scf.for %scan3A_165 = %scan3A_110 to %scan3A_112 step %scan3A_113 iter_args(%scan3A_166 = %scan3A_109) -> (i32)  : i32 {
      %mul3A_167 = arith.constant 16 : i32
      %mul3A_168 = arith.muli %scan3A_165, %mul3A_167 : i32
      %add3A_169 = arith.addi %mul3A_168, %arg1 : i32
      %mul3A_170 = arith.constant 16 : i32
      %mul3A_171 = arith.muli %add3A_169, %mul3A_170 : i32
      %add3A_172 = vector.broadcast %mul3A_171 : i32 to vector<16xi32>
      %add3A_173 = arith.addi %iota3A, %add3A_172 : vector<16xi32>
      %mul3A_174 = arith.constant 3 : i32
      %mul3A_175 = vector.broadcast %mul3A_174 : i32 to vector<16xi32>
      %mul3A_176 = arith.muli %add3A_173, %mul3A_175 : vector<16xi32>
      %add3A_177 = arith.constant 0 : i32
      %add3A_178 = vector.broadcast %add3A_177 : i32 to vector<16xi32>
      %add3A_179 = arith.addi %mul3A_176, %add3A_178 : vector<16xi32>
      %gather3A = tpu.vector_load_idx %arg17[%add3A_179] : memref<12288xf32, #tpu.memory_space<vmem>>[vector<16xi32>], vector<16xf32>,
      %add3A_180 = arith.constant 1 : i32
      %add3A_181 = vector.broadcast %add3A_180 : i32 to vector<16xi32>
      %add3A_182 = arith.addi %mul3A_176, %add3A_181 : vector<16xi32>
      %gather3A_183 = tpu.vector_load_idx %arg17[%add3A_182] : memref<12288xf32, #tpu.memory_space<vmem>>[vector<16xi32>], vector<16xf32>,
      %add3A_184 = arith.constant 2 : i32
      %add3A_185 = vector.broadcast %add3A_184 : i32 to vector<16xi32>
      %add3A_186 = arith.addi %mul3A_176, %add3A_185 : vector<16xi32>
      %gather3A_187 = tpu.vector_load_idx %arg17[%add3A_186] : memref<12288xf32, #tpu.memory_space<vmem>>[vector<16xi32>], vector<16xf32>,
      %mul3A_188 = arith.constant 2.560000e+02 : f32
      %mul3A_189 = vector.broadcast %mul3A_188 : f32 to vector<16xf32>
      %mul3A_190 = arith.mulf %gather3A, %mul3A_189 : vector<16xf32>
      %add3A_191 = arith.constant 1.285000e+02 : f32
      %add3A_192 = vector.broadcast %add3A_191 : f32 to vector<16xf32>
      %add3A_193 = arith.addf %mul3A_190, %add3A_192 : vector<16xf32>
      %jit3A = arith.constant 0.000000e+00 : f32
      %jit3A_194 = arith.constant 2.550000e+02 : f32
      %max3A = vector.broadcast %jit3A : f32 to vector<16xf32>
      %max3A_195 = arith.maximumf %max3A, %add3A_193 : vector<16xf32>
      %min3A = vector.broadcast %jit3A_194 : f32 to vector<16xf32>
      %min3A_196 = arith.minimumf %min3A, %max3A_195 : vector<16xf32>
      %convert_element_type3A_197 = arith.fptosi %min3A_196 : vector<16xf32> to vector<16xi32>
      %mul3A_198 = arith.constant 2.560000e+02 : f32
      %mul3A_199 = vector.broadcast %mul3A_198 : f32 to vector<16xf32>
      %mul3A_200 = arith.mulf %gather3A_183, %mul3A_199 : vector<16xf32>
      %add3A_201 = arith.constant 1.285000e+02 : f32
      %add3A_202 = vector.broadcast %add3A_201 : f32 to vector<16xf32>
      %add3A_203 = arith.addf %mul3A_200, %add3A_202 : vector<16xf32>
      %jit3A_204 = arith.constant 0.000000e+00 : f32
      %jit3A_205 = arith.constant 2.550000e+02 : f32
      %max3A_206 = vector.broadcast %jit3A_204 : f32 to vector<16xf32>
      %max3A_207 = arith.maximumf %max3A_206, %add3A_203 : vector<16xf32>
      %min3A_208 = vector.broadcast %jit3A_205 : f32 to vector<16xf32>
      %min3A_209 = arith.minimumf %min3A_208, %max3A_207 : vector<16xf32>
      %convert_element_type3A_210 = arith.fptosi %min3A_209 : vector<16xf32> to vector<16xi32>
      %mul3A_211 = arith.constant 2.560000e+02 : f32
      %mul3A_212 = vector.broadcast %mul3A_211 : f32 to vector<16xf32>
      %mul3A_213 = arith.mulf %gather3A_187, %mul3A_212 : vector<16xf32>
      %add3A_214 = arith.constant 1.285000e+02 : f32
      %add3A_215 = vector.broadcast %add3A_214 : f32 to vector<16xf32>
      %add3A_216 = arith.addf %mul3A_213, %add3A_215 : vector<16xf32>
      %jit3A_217 = arith.constant 0.000000e+00 : f32
      %jit3A_218 = arith.constant 2.550000e+02 : f32
      %max3A_219 = vector.broadcast %jit3A_217 : f32 to vector<16xf32>
      %max3A_220 = arith.maximumf %max3A_219, %add3A_216 : vector<16xf32>
      %min3A_221 = vector.broadcast %jit3A_218 : f32 to vector<16xf32>
      %min3A_222 = arith.minimumf %min3A_221, %max3A_220 : vector<16xf32>
      %convert_element_type3A_223 = arith.fptosi %min3A_222 : vector<16xf32> to vector<16xi32>
      %mul3A_224 = arith.constant 256 : i32
      %mul3A_225 = vector.broadcast %mul3A_224 : i32 to vector<16xi32>
      %mul3A_226 = arith.muli %convert_element_type3A_197, %mul3A_225 : vector<16xi32>
      %add3A_227 = arith.addi %mul3A_226, %convert_element_type3A_210 : vector<16xi32>
      %mul3A_228 = arith.constant 256 : i32
      %mul3A_229 = vector.broadcast %mul3A_228 : i32 to vector<16xi32>
      %mul3A_230 = arith.muli %add3A_227, %mul3A_229 : vector<16xi32>
      %add3A_231 = arith.addi %mul3A_230, %convert_element_type3A_223 : vector<16xi32>
      %shift_right_arithmetic3A = arith.constant 23 : i32
      %shift_right_arithmetic3A_232 = vector.broadcast %shift_right_arithmetic3A : i32 to vector<16xi32>
      %shift_right_arithmetic3A_233 = arith.shrsi %add3A_231, %shift_right_arithmetic3A_232 : vector<16xi32>
      %eq3A = vector.broadcast %arg0 : i32 to vector<16xi32>
      %eq3A_234 = arith.cmpi eq, %shift_right_arithmetic3A_233, %eq3A : vector<16xi32>
      %all_reduce_population_count3A = tpu.all_reduce %eq3A_234 {dim = 0 : i64, kind = #tpu.reduction_kind<sum>} : vector<16xi1> -> vector<16xi32>
      %slice3A = vector.extract_strided_slice %all_reduce_population_count3A {offsets = [0], sizes = [1], strides = [1]} : vector<16xi32> to vector<1xi32>
      %squeeze3A = vector.extract %slice3A[0] : i32 from vector<1xi32>
      %swap3A_235 = arith.index_cast %scan3A_166 : i32 to index
      %swap3A_236 = tpu.vector_load %arg32[%swap3A_235] masked %eq3A_234 {strides = array<i32>} : memref<2560xi32, #tpu.memory_space<vmem>>, vector<16xi32>, vector<16xi1>
      tpu.vector_store %arg32[%swap3A_235], %add3A_231 masked %eq3A_234 {strides = array<i32>} : memref<2560xi32, #tpu.memory_space<vmem>>, vector<16xi32>, vector<16xi1>
      %add3A_237 = arith.addi %scan3A_166, %squeeze3A : i32
      scf.yield %add3A_237 : i32
    }
    %scan3A_115 = arith.constant 16 : i32
    %scan3A_116 = arith.constant 0 : i32
    %scan3A_117 = arith.constant 32 : i32
    %scan3A_118 = arith.addi %scan3A_116, %scan3A_117 : i32
    %scan3A_119 = arith.constant 1 : i32
    %scan3A_120 = scf.for %scan3A_165 = %scan3A_116 to %scan3A_118 step %scan3A_119 iter_args(%scan3A_166 = %scan3A_114) -> (i32)  : i32 {
      %mul3A_167 = arith.constant 16 : i32
      %mul3A_168 = arith.muli %scan3A_165, %mul3A_167 : i32
      %add3A_169 = arith.addi %mul3A_168, %arg1 : i32
      %mul3A_170 = arith.constant 16 : i32
      %mul3A_171 = arith.muli %add3A_169, %mul3A_170 : i32
      %add3A_172 = vector.broadcast %mul3A_171 : i32 to vector<16xi32>
      %add3A_173 = arith.addi %iota3A, %add3A_172 : vector<16xi32>
      %mul3A_174 = arith.constant 3 : i32
      %mul3A_175 = vector.broadcast %mul3A_174 : i32 to vector<16xi32>
      %mul3A_176 = arith.muli %add3A_173, %mul3A_175 : vector<16xi32>
      %add3A_177 = arith.constant 0 : i32
      %add3A_178 = vector.broadcast %add3A_177 : i32 to vector<16xi32>
      %add3A_179 = arith.addi %mul3A_176, %add3A_178 : vector<16xi32>
      %gather3A = tpu.vector_load_idx %arg22[%add3A_179] : memref<24576xf32, #tpu.memory_space<vmem>>[vector<16xi32>], vector<16xf32>,
      %add3A_180 = arith.constant 1 : i32
      %add3A_181 = vector.broadcast %add3A_180 : i32 to vector<16xi32>
      %add3A_182 = arith.addi %mul3A_176, %add3A_181 : vector<16xi32>
      %gather3A_183 = tpu.vector_load_idx %arg22[%add3A_182] : memref<24576xf32, #tpu.memory_space<vmem>>[vector<16xi32>], vector<16xf32>,
      %add3A_184 = arith.constant 2 : i32
      %add3A_185 = vector.broadcast %add3A_184 : i32 to vector<16xi32>
      %add3A_186 = arith.addi %mul3A_176, %add3A_185 : vector<16xi32>
      %gather3A_187 = tpu.vector_load_idx %arg22[%add3A_186] : memref<24576xf32, #tpu.memory_space<vmem>>[vector<16xi32>], vector<16xf32>,
      %mul3A_188 = arith.constant 2.560000e+02 : f32
      %mul3A_189 = vector.broadcast %mul3A_188 : f32 to vector<16xf32>
      %mul3A_190 = arith.mulf %gather3A, %mul3A_189 : vector<16xf32>
      %add3A_191 = arith.constant 1.285000e+02 : f32
      %add3A_192 = vector.broadcast %add3A_191 : f32 to vector<16xf32>
      %add3A_193 = arith.addf %mul3A_190, %add3A_192 : vector<16xf32>
      %jit3A = arith.constant 0.000000e+00 : f32
      %jit3A_194 = arith.constant 2.550000e+02 : f32
      %max3A = vector.broadcast %jit3A : f32 to vector<16xf32>
      %max3A_195 = arith.maximumf %max3A, %add3A_193 : vector<16xf32>
      %min3A = vector.broadcast %jit3A_194 : f32 to vector<16xf32>
      %min3A_196 = arith.minimumf %min3A, %max3A_195 : vector<16xf32>
      %convert_element_type3A_197 = arith.fptosi %min3A_196 : vector<16xf32> to vector<16xi32>
      %mul3A_198 = arith.constant 2.560000e+02 : f32
      %mul3A_199 = vector.broadcast %mul3A_198 : f32 to vector<16xf32>
      %mul3A_200 = arith.mulf %gather3A_183, %mul3A_199 : vector<16xf32>
      %add3A_201 = arith.constant 1.285000e+02 : f32
      %add3A_202 = vector.broadcast %add3A_201 : f32 to vector<16xf32>
      %add3A_203 = arith.addf %mul3A_200, %add3A_202 : vector<16xf32>
      %jit3A_204 = arith.constant 0.000000e+00 : f32
      %jit3A_205 = arith.constant 2.550000e+02 : f32
      %max3A_206 = vector.broadcast %jit3A_204 : f32 to vector<16xf32>
      %max3A_207 = arith.maximumf %max3A_206, %add3A_203 : vector<16xf32>
      %min3A_208 = vector.broadcast %jit3A_205 : f32 to vector<16xf32>
      %min3A_209 = arith.minimumf %min3A_208, %max3A_207 : vector<16xf32>
      %convert_element_type3A_210 = arith.fptosi %min3A_209 : vector<16xf32> to vector<16xi32>
      %mul3A_211 = arith.constant 2.560000e+02 : f32
      %mul3A_212 = vector.broadcast %mul3A_211 : f32 to vector<16xf32>
      %mul3A_213 = arith.mulf %gather3A_187, %mul3A_212 : vector<16xf32>
      %add3A_214 = arith.constant 1.285000e+02 : f32
      %add3A_215 = vector.broadcast %add3A_214 : f32 to vector<16xf32>
      %add3A_216 = arith.addf %mul3A_213, %add3A_215 : vector<16xf32>
      %jit3A_217 = arith.constant 0.000000e+00 : f32
      %jit3A_218 = arith.constant 2.550000e+02 : f32
      %max3A_219 = vector.broadcast %jit3A_217 : f32 to vector<16xf32>
      %max3A_220 = arith.maximumf %max3A_219, %add3A_216 : vector<16xf32>
      %min3A_221 = vector.broadcast %jit3A_218 : f32 to vector<16xf32>
      %min3A_222 = arith.minimumf %min3A_221, %max3A_220 : vector<16xf32>
      %convert_element_type3A_223 = arith.fptosi %min3A_222 : vector<16xf32> to vector<16xi32>
      %mul3A_224 = arith.constant 256 : i32
      %mul3A_225 = vector.broadcast %mul3A_224 : i32 to vector<16xi32>
      %mul3A_226 = arith.muli %convert_element_type3A_197, %mul3A_225 : vector<16xi32>
      %add3A_227 = arith.addi %mul3A_226, %convert_element_type3A_210 : vector<16xi32>
      %mul3A_228 = arith.constant 256 : i32
      %mul3A_229 = vector.broadcast %mul3A_228 : i32 to vector<16xi32>
      %mul3A_230 = arith.muli %add3A_227, %mul3A_229 : vector<16xi32>
      %add3A_231 = arith.addi %mul3A_230, %convert_element_type3A_223 : vector<16xi32>
      %shift_right_arithmetic3A = arith.constant 23 : i32
      %shift_right_arithmetic3A_232 = vector.broadcast %shift_right_arithmetic3A : i32 to vector<16xi32>
      %shift_right_arithmetic3A_233 = arith.shrsi %add3A_231, %shift_right_arithmetic3A_232 : vector<16xi32>
      %eq3A = vector.broadcast %arg0 : i32 to vector<16xi32>
      %eq3A_234 = arith.cmpi eq, %shift_right_arithmetic3A_233, %eq3A : vector<16xi32>
      %all_reduce_population_count3A = tpu.all_reduce %eq3A_234 {dim = 0 : i64, kind = #tpu.reduction_kind<sum>} : vector<16xi1> -> vector<16xi32>
      %slice3A = vector.extract_strided_slice %all_reduce_population_count3A {offsets = [0], sizes = [1], strides = [1]} : vector<16xi32> to vector<1xi32>
      %squeeze3A = vector.extract %slice3A[0] : i32 from vector<1xi32>
      %swap3A_235 = arith.index_cast %scan3A_166 : i32 to index
      %swap3A_236 = tpu.vector_load %arg32[%swap3A_235] masked %eq3A_234 {strides = array<i32>} : memref<2560xi32, #tpu.memory_space<vmem>>, vector<16xi32>, vector<16xi1>
      tpu.vector_store %arg32[%swap3A_235], %add3A_231 masked %eq3A_234 {strides = array<i32>} : memref<2560xi32, #tpu.memory_space<vmem>>, vector<16xi32>, vector<16xi1>
      %add3A_237 = arith.addi %scan3A_166, %squeeze3A : i32
      scf.yield %add3A_237 : i32
    }
    %scan3A_121 = arith.constant 32 : i32
    %scan3A_122 = arith.constant 0 : i32
    %scan3A_123 = arith.constant 110 : i32
    %scan3A_124 = arith.addi %scan3A_122, %scan3A_123 : i32
    %scan3A_125 = arith.constant 1 : i32
    %scan3A_126 = scf.for %scan3A_165 = %scan3A_122 to %scan3A_124 step %scan3A_125 iter_args(%scan3A_166 = %scan3A_120) -> (i32)  : i32 {
      %mul3A_167 = arith.constant 16 : i32
      %mul3A_168 = arith.muli %scan3A_165, %mul3A_167 : i32
      %get3A = arith.index_cast %mul3A_168 : i32 to index
      %get3A_169 = tpu.vector_load %arg29[%get3A] {strides = array<i32>} : memref<1760xi32, #tpu.memory_space<vmem>>, vector<16xi32>,
      %shift_right_arithmetic3A = arith.constant 23 : i32
      %shift_right_arithmetic3A_170 = vector.broadcast %shift_right_arithmetic3A : i32 to vector<16xi32>
      %shift_right_arithmetic3A_171 = arith.shrsi %get3A_169, %shift_right_arithmetic3A_170 : vector<16xi32>
      %eq3A = vector.broadcast %arg0 : i32 to vector<16xi32>
      %eq3A_172 = arith.cmpi eq, %shift_right_arithmetic3A_171, %eq3A : vector<16xi32>
      %all_reduce_population_count3A = tpu.all_reduce %eq3A_172 {dim = 0 : i64, kind = #tpu.reduction_kind<sum>} : vector<16xi1> -> vector<16xi32>
      %slice3A = vector.extract_strided_slice %all_reduce_population_count3A {offsets = [0], sizes = [1], strides = [1]} : vector<16xi32> to vector<1xi32>
      %squeeze3A = vector.extract %slice3A[0] : i32 from vector<1xi32>
      %swap3A_173 = arith.index_cast %scan3A_166 : i32 to index
      %swap3A_174 = tpu.vector_load %arg32[%swap3A_173] masked %eq3A_172 {strides = array<i32>} : memref<2560xi32, #tpu.memory_space<vmem>>, vector<16xi32>, vector<16xi1>
      tpu.vector_store %arg32[%swap3A_173], %get3A_169 masked %eq3A_172 {strides = array<i32>} : memref<2560xi32, #tpu.memory_space<vmem>>, vector<16xi32>, vector<16xi1>
      %add3A_175 = arith.addi %scan3A_166, %squeeze3A : i32
      scf.yield %add3A_175 : i32
    }
    %scan3A_127 = arith.constant 110 : i32
    %dma_wait3A = tpu.memref_slice %arg16[%add3A_13] : memref<16777216xf32, #tpu.memory_space<hbm>> -> memref<32768xf32, #tpu.memory_space<hbm>>
    %dma_wait3A_128 = tpu.memref_slice %arg16[%add3A_13] : memref<16777216xf32, #tpu.memory_space<hbm>> -> memref<32768xf32, #tpu.memory_space<hbm>>
    tpu.wait_dma2 semaphore(%arg35 : memref<!tpu.dma_semaphore, #tpu.memory_space<semaphore_mem>>) src(%arg33 : memref<32768xf32, #tpu.memory_space<vmem>>) dst(%dma_wait3A_128 : memref<32768xf32, #tpu.memory_space<hbm>>)
    %dma_wait3A_129 = tpu.memref_slice %arg16[%add3A_16] : memref<16777216xf32, #tpu.memory_space<hbm>> -> memref<32768xf32, #tpu.memory_space<hbm>>
    %dma_wait3A_130 = tpu.memref_slice %arg16[%add3A_16] : memref<16777216xf32, #tpu.memory_space<hbm>> -> memref<32768xf32, #tpu.memory_space<hbm>>
    tpu.wait_dma2 semaphore(%arg35 : memref<!tpu.dma_semaphore, #tpu.memory_space<semaphore_mem>>) src(%arg33 : memref<32768xf32, #tpu.memory_space<vmem>>) dst(%dma_wait3A_130 : memref<32768xf32, #tpu.memory_space<hbm>>)
    %dma_wait3A_131 = tpu.memref_slice %arg16[%add3A_20] : memref<16777216xf32, #tpu.memory_space<hbm>> -> memref<32768xf32, #tpu.memory_space<hbm>>
    %dma_wait3A_132 = tpu.memref_slice %arg16[%add3A_20] : memref<16777216xf32, #tpu.memory_space<hbm>> -> memref<32768xf32, #tpu.memory_space<hbm>>
    tpu.wait_dma2 semaphore(%arg35 : memref<!tpu.dma_semaphore, #tpu.memory_space<semaphore_mem>>) src(%arg33 : memref<32768xf32, #tpu.memory_space<vmem>>) dst(%dma_wait3A_132 : memref<32768xf32, #tpu.memory_space<hbm>>)
    %dma_wait3A_133 = tpu.memref_slice %arg16[%add3A_24] : memref<16777216xf32, #tpu.memory_space<hbm>> -> memref<32768xf32, #tpu.memory_space<hbm>>
    %dma_wait3A_134 = tpu.memref_slice %arg16[%add3A_24] : memref<16777216xf32, #tpu.memory_space<hbm>> -> memref<32768xf32, #tpu.memory_space<hbm>>
    tpu.wait_dma2 semaphore(%arg35 : memref<!tpu.dma_semaphore, #tpu.memory_space<semaphore_mem>>) src(%arg33 : memref<32768xf32, #tpu.memory_space<vmem>>) dst(%dma_wait3A_134 : memref<32768xf32, #tpu.memory_space<hbm>>)
    %dma_wait3A_135 = tpu.memref_slice %arg16[%add3A_28] : memref<16777216xf32, #tpu.memory_space<hbm>> -> memref<32768xf32, #tpu.memory_space<hbm>>
    %dma_wait3A_136 = tpu.memref_slice %arg16[%add3A_28] : memref<16777216xf32, #tpu.memory_space<hbm>> -> memref<32768xf32, #tpu.memory_space<hbm>>
    tpu.wait_dma2 semaphore(%arg35 : memref<!tpu.dma_semaphore, #tpu.memory_space<semaphore_mem>>) src(%arg33 : memref<32768xf32, #tpu.memory_space<vmem>>) dst(%dma_wait3A_136 : memref<32768xf32, #tpu.memory_space<hbm>>)
    %dma_wait3A_137 = tpu.memref_slice %arg16[%add3A_32] : memref<16777216xf32, #tpu.memory_space<hbm>> -> memref<32768xf32, #tpu.memory_space<hbm>>
    %dma_wait3A_138 = tpu.memref_slice %arg16[%add3A_32] : memref<16777216xf32, #tpu.memory_space<hbm>> -> memref<32768xf32, #tpu.memory_space<hbm>>
    tpu.wait_dma2 semaphore(%arg35 : memref<!tpu.dma_semaphore, #tpu.memory_space<semaphore_mem>>) src(%arg33 : memref<32768xf32, #tpu.memory_space<vmem>>) dst(%dma_wait3A_138 : memref<32768xf32, #tpu.memory_space<hbm>>)
    %dma_wait3A_139 = tpu.memref_slice %arg16[%add3A_36] : memref<16777216xf32, #tpu.memory_space<hbm>> -> memref<32768xf32, #tpu.memory_space<hbm>>
    %dma_wait3A_140 = tpu.memref_slice %arg16[%add3A_36] : memref<16777216xf32, #tpu.memory_space<hbm>> -> memref<32768xf32, #tpu.memory_space<hbm>>
    tpu.wait_dma2 semaphore(%arg35 : memref<!tpu.dma_semaphore, #tpu.memory_space<semaphore_mem>>) src(%arg33 : memref<32768xf32, #tpu.memory_space<vmem>>) dst(%dma_wait3A_140 : memref<32768xf32, #tpu.memory_space<hbm>>)
    %dma_wait3A_141 = tpu.memref_slice %arg16[%add3A_40] : memref<16777216xf32, #tpu.memory_space<hbm>> -> memref<32768xf32, #tpu.memory_space<hbm>>
    %dma_wait3A_142 = tpu.memref_slice %arg16[%add3A_40] : memref<16777216xf32, #tpu.memory_space<hbm>> -> memref<32768xf32, #tpu.memory_space<hbm>>
    tpu.wait_dma2 semaphore(%arg35 : memref<!tpu.dma_semaphore, #tpu.memory_space<semaphore_mem>>) src(%arg33 : memref<32768xf32, #tpu.memory_space<vmem>>) dst(%dma_wait3A_142 : memref<32768xf32, #tpu.memory_space<hbm>>)
    %dma_wait3A_143 = tpu.memref_slice %arg16[%add3A_44] : memref<16777216xf32, #tpu.memory_space<hbm>> -> memref<32768xf32, #tpu.memory_space<hbm>>
    %dma_wait3A_144 = tpu.memref_slice %arg16[%add3A_44] : memref<16777216xf32, #tpu.memory_space<hbm>> -> memref<32768xf32, #tpu.memory_space<hbm>>
    tpu.wait_dma2 semaphore(%arg35 : memref<!tpu.dma_semaphore, #tpu.memory_space<semaphore_mem>>) src(%arg33 : memref<32768xf32, #tpu.memory_space<vmem>>) dst(%dma_wait3A_144 : memref<32768xf32, #tpu.memory_space<hbm>>)
    %dma_wait3A_145 = tpu.memref_slice %arg16[%add3A_48] : memref<16777216xf32, #tpu.memory_space<hbm>> -> memref<32768xf32, #tpu.memory_space<hbm>>
    %dma_wait3A_146 = tpu.memref_slice %arg16[%add3A_48] : memref<16777216xf32, #tpu.memory_space<hbm>> -> memref<32768xf32, #tpu.memory_space<hbm>>
    tpu.wait_dma2 semaphore(%arg35 : memref<!tpu.dma_semaphore, #tpu.memory_space<semaphore_mem>>) src(%arg33 : memref<32768xf32, #tpu.memory_space<vmem>>) dst(%dma_wait3A_146 : memref<32768xf32, #tpu.memory_space<hbm>>)
    %dma_wait3A_147 = tpu.memref_slice %arg16[%add3A_52] : memref<16777216xf32, #tpu.memory_space<hbm>> -> memref<32768xf32, #tpu.memory_space<hbm>>
    %dma_wait3A_148 = tpu.memref_slice %arg16[%add3A_52] : memref<16777216xf32, #tpu.memory_space<hbm>> -> memref<32768xf32, #tpu.memory_space<hbm>>
    tpu.wait_dma2 semaphore(%arg35 : memref<!tpu.dma_semaphore, #tpu.memory_space<semaphore_mem>>) src(%arg33 : memref<32768xf32, #tpu.memory_space<vmem>>) dst(%dma_wait3A_148 : memref<32768xf32, #tpu.memory_space<hbm>>)
    %dma_wait3A_149 = tpu.memref_slice %arg16[%add3A_56] : memref<16777216xf32, #tpu.memory_space<hbm>> -> memref<32768xf32, #tpu.memory_space<hbm>>
    %dma_wait3A_150 = tpu.memref_slice %arg16[%add3A_56] : memref<16777216xf32, #tpu.memory_space<hbm>> -> memref<32768xf32, #tpu.memory_space<hbm>>
    tpu.wait_dma2 semaphore(%arg35 : memref<!tpu.dma_semaphore, #tpu.memory_space<semaphore_mem>>) src(%arg33 : memref<32768xf32, #tpu.memory_space<vmem>>) dst(%dma_wait3A_150 : memref<32768xf32, #tpu.memory_space<hbm>>)
    %dma_wait3A_151 = tpu.memref_slice %arg16[%add3A_60] : memref<16777216xf32, #tpu.memory_space<hbm>> -> memref<32768xf32, #tpu.memory_space<hbm>>
    %dma_wait3A_152 = tpu.memref_slice %arg16[%add3A_60] : memref<16777216xf32, #tpu.memory_space<hbm>> -> memref<32768xf32, #tpu.memory_space<hbm>>
    tpu.wait_dma2 semaphore(%arg35 : memref<!tpu.dma_semaphore, #tpu.memory_space<semaphore_mem>>) src(%arg33 : memref<32768xf32, #tpu.memory_space<vmem>>) dst(%dma_wait3A_152 : memref<32768xf32, #tpu.memory_space<hbm>>)
    %dma_wait3A_153 = tpu.memref_slice %arg16[%add3A_64] : memref<16777216xf32, #tpu.memory_space<hbm>> -> memref<32768xf32, #tpu.memory_space<hbm>>
    %dma_wait3A_154 = tpu.memref_slice %arg16[%add3A_64] : memref<16777216xf32, #tpu.memory_space<hbm>> -> memref<32768xf32, #tpu.memory_space<hbm>>
    tpu.wait_dma2 semaphore(%arg35 : memref<!tpu.dma_semaphore, #tpu.memory_space<semaphore_mem>>) src(%arg33 : memref<32768xf32, #tpu.memory_space<vmem>>) dst(%dma_wait3A_154 : memref<32768xf32, #tpu.memory_space<hbm>>)
    %dma_wait3A_155 = tpu.memref_slice %arg16[%add3A_68] : memref<16777216xf32, #tpu.memory_space<hbm>> -> memref<32768xf32, #tpu.memory_space<hbm>>
    %dma_wait3A_156 = tpu.memref_slice %arg16[%add3A_68] : memref<16777216xf32, #tpu.memory_space<hbm>> -> memref<32768xf32, #tpu.memory_space<hbm>>
    tpu.wait_dma2 semaphore(%arg35 : memref<!tpu.dma_semaphore, #tpu.memory_space<semaphore_mem>>) src(%arg33 : memref<32768xf32, #tpu.memory_space<vmem>>) dst(%dma_wait3A_156 : memref<32768xf32, #tpu.memory_space<hbm>>)
    %dma_wait3A_157 = tpu.memref_slice %arg16[%add3A_72] : memref<16777216xf32, #tpu.memory_space<hbm>> -> memref<32768xf32, #tpu.memory_space<hbm>>
    %dma_wait3A_158 = tpu.memref_slice %arg16[%add3A_72] : memref<16777216xf32, #tpu.memory_space<hbm>> -> memref<32768xf32, #tpu.memory_space<hbm>>
    tpu.wait_dma2 semaphore(%arg35 : memref<!tpu.dma_semaphore, #tpu.memory_space<semaphore_mem>>) src(%arg33 : memref<32768xf32, #tpu.memory_space<vmem>>) dst(%dma_wait3A_158 : memref<32768xf32, #tpu.memory_space<hbm>>)
    %barrier3A = arith.constant 0 : index
    tpu.barrier barrier_id(%barrier3A)
    %gt3A = arith.constant 0 : i32
    %gt3A_159 = arith.cmpi sgt, %scan3A_126, %gt3A : i32
    %convert_element_type3A = arith.extui %gt3A_159 : i1 to i32
    %cond3A = arith.constant 0 : i32
    %cond3A_160 = arith.cmpi ne, %convert_element_type3A, %cond3A : i32
    scf.if %cond3A_160 {
      %get3A = arith.constant 0 : index
      %get3A_165 = tpu.vector_load %arg32[%get3A] {strides = array<i32>} : memref<2560xi32, #tpu.memory_space<vmem>>, vector<16xi32>,
      %slice3A = vector.extract_strided_slice %get3A_165 {offsets = [0], sizes = [1], strides = [1]} : vector<16xi32> to vector<1xi32>
      %squeeze3A = vector.extract %slice3A[0] : i32 from vector<1xi32>
      %broadcast_in_dim3A_166 = vector.broadcast %squeeze3A : i32 to vector<16xi32>
      %swap3A_167 = arith.index_cast %scan3A_126 : i32 to index
      %swap3A_168 = tpu.vector_load %arg32[%swap3A_167] {strides = array<i32>} : memref<2560xi32, #tpu.memory_space<vmem>>, vector<16xi32>,
      tpu.vector_store %arg32[%swap3A_167], %broadcast_in_dim3A_166 {strides = array<i32>} : memref<2560xi32, #tpu.memory_space<vmem>>, vector<16xi32>,
      %add3A_169 = arith.constant 15 : i32
      %add3A_170 = arith.addi %scan3A_126, %add3A_169 : i32
      %jit3A = arith.constant 16 : i32
      %div3A = arith.divsi %add3A_170, %jit3A : i32
      %sign3A = arith.constant 0 : i32
      %sign3A_171 = arith.cmpi sgt, %add3A_170, %sign3A : i32
      %sign3A_172 = arith.extui %sign3A_171 : i1 to i32
      %sign3A_173 = arith.constant 0 : i32
      %sign3A_174 = arith.cmpi slt, %add3A_170, %sign3A_173 : i32
      %sign3A_175 = arith.extui %sign3A_174 : i1 to i32
      %sign3A_176 = arith.subi %sign3A_172, %sign3A_175 : i32
      %sign3A_177 = arith.constant 0 : i32
      %sign3A_178 = arith.cmpi sgt, %jit3A, %sign3A_177 : i32
      %sign3A_179 = arith.extui %sign3A_178 : i1 to i32
      %sign3A_180 = arith.constant 0 : i32
      %sign3A_181 = arith.cmpi slt, %jit3A, %sign3A_180 : i32
      %sign3A_182 = arith.extui %sign3A_181 : i1 to i32
      %sign3A_183 = arith.subi %sign3A_179, %sign3A_182 : i32
      %ne3A = arith.cmpi ne, %sign3A_176, %sign3A_183 : i32
      %rem3A = arith.remsi %add3A_170, %jit3A : i32
      %ne3A_184 = arith.constant 0 : i32
      %ne3A_185 = arith.cmpi ne, %rem3A, %ne3A_184 : i32
      %and3A = arith.andi %ne3A, %ne3A_185 : i1
      %sub3A = arith.constant 1 : i32
      %sub3A_186 = arith.subi %div3A, %sub3A : i32
      %select_n3A = arith.select %and3A, %sub3A_186, %div3A : i32
      %while3A = arith.constant 0 : i32
      %while3A_187 = arith.constant 0 : i32
      %while3A_188 = arith.subi %select_n3A, %while3A_187 : i32
      %while3A_189 = arith.addi %while3A_187, %while3A_188 : i32
      %while3A_190 = arith.constant 1 : i32
      %while3A_191 = arith.divsi %while3A_188, %while3A_190 : i32
      %while3A_192 = arith.muli %while3A_191, %while3A_190 : i32
      %while3A_193 = arith.addi %while3A_187, %while3A_192 : i32
      %while3A_194 = arith.constant 1 : i32
      scf.for %while3A_206 = %while3A_187 to %while3A_193 step %while3A_194  : i32 {
        %mul3A_207 = arith.constant 16 : i32
        %mul3A_208 = arith.muli %while3A_206, %mul3A_207 : i32
        %get3A_209 = arith.index_cast %mul3A_208 : i32 to index
        %get3A_210 = tpu.vector_load %arg32[%get3A_209] {strides = array<i32>} : memref<2560xi32, #tpu.memory_space<vmem>>, vector<16xi32>,
        %dma_start3A_211 = arith.constant 0 : i32
        %dma_start3A_212 = tpu.memref_slice %arg16[%dma_start3A_211] : memref<16777216xf32, #tpu.memory_space<hbm>> -> memref<16777216xf32, #tpu.memory_space<hbm>>
        tpu.enqueue_indirect_dma source(%arg34 : memref<16xf32, #tpu.memory_space<vmem>>) target(%dma_start3A_212 : memref<16777216xf32, #tpu.memory_space<hbm>>) offsets(%get3A_210 : vector<16xi32>) semaphore(%arg36 : memref<!tpu.dma_semaphore, #tpu.memory_space<semaphore_mem>>)
      }
      %while3A_195 = arith.constant 1 : i32
      scf.for %while3A_206 = %while3A_193 to %while3A_189 step %while3A_195  : i32 {
        %mul3A_207 = arith.constant 16 : i32
        %mul3A_208 = arith.muli %while3A_206, %mul3A_207 : i32
        %get3A_209 = arith.index_cast %mul3A_208 : i32 to index
        %get3A_210 = tpu.vector_load %arg32[%get3A_209] {strides = array<i32>} : memref<2560xi32, #tpu.memory_space<vmem>>, vector<16xi32>,
        %dma_start3A_211 = arith.constant 0 : i32
        %dma_start3A_212 = tpu.memref_slice %arg16[%dma_start3A_211] : memref<16777216xf32, #tpu.memory_space<hbm>> -> memref<16777216xf32, #tpu.memory_space<hbm>>
        tpu.enqueue_indirect_dma source(%arg34 : memref<16xf32, #tpu.memory_space<vmem>>) target(%dma_start3A_212 : memref<16777216xf32, #tpu.memory_space<hbm>>) offsets(%get3A_210 : vector<16xi32>) semaphore(%arg36 : memref<!tpu.dma_semaphore, #tpu.memory_space<semaphore_mem>>)
      }
      %while3A_196 = arith.constant 0 : i32
      %while3A_197 = arith.constant 0 : i32
      %while3A_198 = arith.subi %select_n3A, %while3A_197 : i32
      %while3A_199 = arith.addi %while3A_197, %while3A_198 : i32
      %while3A_200 = arith.constant 1 : i32
      %while3A_201 = arith.divsi %while3A_198, %while3A_200 : i32
      %while3A_202 = arith.muli %while3A_201, %while3A_200 : i32
      %while3A_203 = arith.addi %while3A_197, %while3A_202 : i32
      %while3A_204 = arith.constant 1 : i32
      scf.for %while3A_206 = %while3A_197 to %while3A_203 step %while3A_204  : i32 {
        %broadcast_in_dim3A_207 = arith.constant 0 : i32
        %broadcast_in_dim3A_208 = vector.broadcast %broadcast_in_dim3A_207 : i32 to vector<16xi32>
        %dma_wait3A_209 = arith.constant 0 : i32
        %dma_wait3A_210 = tpu.memref_slice %arg16[%dma_wait3A_209] : memref<16777216xf32, #tpu.memory_space<hbm>> -> memref<16777216xf32, #tpu.memory_space<hbm>>
        tpu.wait_indirect_dma semaphore(%arg36 : memref<!tpu.dma_semaphore, #tpu.memory_space<semaphore_mem>>) src(%arg34 : memref<16xf32, #tpu.memory_space<vmem>>) dst(%dma_wait3A_210 : memref<16777216xf32, #tpu.memory_space<hbm>>)
      }
      %while3A_205 = arith.constant 1 : i32
      scf.for %while3A_206 = %while3A_203 to %while3A_199 step %while3A_205  : i32 {
        %broadcast_in_dim3A_207 = arith.constant 0 : i32
        %broadcast_in_dim3A_208 = vector.broadcast %broadcast_in_dim3A_207 : i32 to vector<16xi32>
        %dma_wait3A_209 = arith.constant 0 : i32
        %dma_wait3A_210 = tpu.memref_slice %arg16[%dma_wait3A_209] : memref<16777216xf32, #tpu.memory_space<hbm>> -> memref<16777216xf32, #tpu.memory_space<hbm>>
        tpu.wait_indirect_dma semaphore(%arg36 : memref<!tpu.dma_semaphore, #tpu.memory_space<semaphore_mem>>) src(%arg34 : memref<16xf32, #tpu.memory_space<vmem>>) dst(%dma_wait3A_210 : memref<16777216xf32, #tpu.memory_space<hbm>>)
      }
    } else {
    }
    %dma_wait3A_161 = tpu.memref_slice %arg14[%mul3A_94] : memref<6144xf32, #tpu.memory_space<hbm>> -> memref<384xf32, #tpu.memory_space<hbm>>
    %dma_wait3A_162 = tpu.memref_slice %arg14[%mul3A_94] : memref<6144xf32, #tpu.memory_space<hbm>> -> memref<384xf32, #tpu.memory_space<hbm>>
    tpu.wait_dma2 semaphore(%arg37 : memref<!tpu.dma_semaphore, #tpu.memory_space<semaphore_mem>>) src(%arg30 : memref<384xf32, #tpu.memory_space<vmem>>) dst(%dma_wait3A_162 : memref<384xf32, #tpu.memory_space<hbm>>)
    %dma_wait3A_163 = tpu.memref_slice %arg15[%mul3A_106] : memref<78336xf32, #tpu.memory_space<hbm>> -> memref<4896xf32, #tpu.memory_space<hbm>>
    %dma_wait3A_164 = tpu.memref_slice %arg15[%mul3A_106] : memref<78336xf32, #tpu.memory_space<hbm>> -> memref<4896xf32, #tpu.memory_space<hbm>>
    tpu.wait_dma2 semaphore(%arg37 : memref<!tpu.dma_semaphore, #tpu.memory_space<semaphore_mem>>) src(%arg31 : memref<4896xf32, #tpu.memory_space<vmem>>) dst(%dma_wait3A_164 : memref<4896xf32, #tpu.memory_space<hbm>>)
    return
  }
}

module attributes {stable_mosaic.version = 14 : i64} {
  func.func @_dilate_body(%arg0: i32, %arg1: memref<2x256x256xf32, #tpu.memory_space<vmem>>, %arg2: memref<6x256x256xf32, #tpu.memory_space<vmem>>, %arg3: memref<1x1x6x258x258xf32, #tpu.memory_space<vmem>>) attributes {dimension_semantics = [#tpu.dimension_semantics<arbitrary>], iteration_bounds = array<i64: 43>, scalar_prefetch = 0 : i64, scratch_operands = 0 : i64, tpu.core_type = #tpu.core_type<tc>, window_params = [{transform_indices = @transform_0, window_bounds = array<i64: 2, 256, 256>}, {transform_indices = @transform_1, window_bounds = array<i64: 6, 256, 256>}, {transform_indices = @transform_2, window_bounds = array<i64: 1, 1, 6, 258, 258>}]} {
    %broadcast_in_dim3A = arith.constant 0.000000e+00 : f32
    %broadcast_in_dim3A_0 = vector.broadcast %broadcast_in_dim3A : f32 to vector<2x256xf32>
    %broadcast_in_dim3A_1 = arith.constant 0.000000e+00 : f32
    %broadcast_in_dim3A_2 = vector.broadcast %broadcast_in_dim3A_1 : f32 to vector<1x256xf32>
    %broadcast_in_dim3A_3 = arith.constant 0.000000e+00 : f32
    %broadcast_in_dim3A_4 = vector.broadcast %broadcast_in_dim3A_3 : f32 to vector<258x2xf32>
    %broadcast_in_dim3A_5 = arith.constant 0.000000e+00 : f32
    %broadcast_in_dim3A_6 = vector.broadcast %broadcast_in_dim3A_5 : f32 to vector<258x1xf32>
    %mul3A = arith.constant 6 : i32
    %mul3A_7 = arith.muli %mul3A, %arg0 : i32
    %add3A = arith.constant -2 : i32
    %add3A_8 = arith.addi %mul3A_7, %add3A : i32
    %ge3A = arith.constant 0 : i32
    %ge3A_9 = arith.cmpi sge, %add3A_8, %ge3A : i32
    %le3A = arith.constant 255 : i32
    %le3A_10 = arith.cmpi sle, %add3A_8, %le3A : i32
    %and3A = arith.andi %ge3A_9, %le3A_10 : i1
    %get3A = arith.constant 0 : index
    %get3A_11 = arith.constant 0 : index
    %get3A_12 = arith.constant 0 : index
    %get3A_13 = vector.load %arg1[%get3A, %get3A_11, %get3A_12] : memref<2x256x256xf32, #tpu.memory_space<vmem>>, vector<1x256x256xf32>
    %get3A_14 = vector.shape_cast %get3A_13 : vector<1x256x256xf32> to vector<256x256xf32>
    %jit3A = arith.constant 0.000000e+00 : f32
    %broadcast_in_dim3A_15 = vector.broadcast %jit3A : f32 to vector<256x256xf32>
    %select_n3A = arith.select %and3A, %get3A_14, %broadcast_in_dim3A_15 : vector<256x256xf32>
    %mul3A_16 = arith.constant 6 : i32
    %mul3A_17 = arith.muli %mul3A_16, %arg0 : i32
    %add3A_18 = arith.constant -1 : i32
    %add3A_19 = arith.addi %mul3A_17, %add3A_18 : i32
    %ge3A_20 = arith.constant 0 : i32
    %ge3A_21 = arith.cmpi sge, %add3A_19, %ge3A_20 : i32
    %le3A_22 = arith.constant 255 : i32
    %le3A_23 = arith.cmpi sle, %add3A_19, %le3A_22 : i32
    %and3A_24 = arith.andi %ge3A_21, %le3A_23 : i1
    %get3A_25 = arith.constant 1 : index
    %get3A_26 = arith.constant 0 : index
    %get3A_27 = arith.constant 0 : index
    %get3A_28 = vector.load %arg1[%get3A_25, %get3A_26, %get3A_27] : memref<2x256x256xf32, #tpu.memory_space<vmem>>, vector<1x256x256xf32>
    %get3A_29 = vector.shape_cast %get3A_28 : vector<1x256x256xf32> to vector<256x256xf32>
    %jit3A_30 = arith.constant 0.000000e+00 : f32
    %broadcast_in_dim3A_31 = vector.broadcast %jit3A_30 : f32 to vector<256x256xf32>
    %select_n3A_32 = arith.select %and3A_24, %get3A_29, %broadcast_in_dim3A_31 : vector<256x256xf32>
    %max3A = arith.maximumf %select_n3A, %select_n3A_32 : vector<256x256xf32>
    %mul3A_33 = arith.constant 6 : i32
    %mul3A_34 = arith.muli %mul3A_33, %arg0 : i32
    %add3A_35 = arith.constant 0 : i32
    %add3A_36 = arith.addi %mul3A_34, %add3A_35 : i32
    %ge3A_37 = arith.constant 0 : i32
    %ge3A_38 = arith.cmpi sge, %add3A_36, %ge3A_37 : i32
    %le3A_39 = arith.constant 255 : i32
    %le3A_40 = arith.cmpi sle, %add3A_36, %le3A_39 : i32
    %and3A_41 = arith.andi %ge3A_38, %le3A_40 : i1
    %get3A_42 = arith.constant 0 : index
    %get3A_43 = arith.constant 0 : index
    %get3A_44 = arith.constant 0 : index
    %get3A_45 = vector.load %arg2[%get3A_42, %get3A_43, %get3A_44] : memref<6x256x256xf32, #tpu.memory_space<vmem>>, vector<1x256x256xf32>
    %get3A_46 = vector.shape_cast %get3A_45 : vector<1x256x256xf32> to vector<256x256xf32>
    %jit3A_47 = arith.constant 0.000000e+00 : f32
    %broadcast_in_dim3A_48 = vector.broadcast %jit3A_47 : f32 to vector<256x256xf32>
    %select_n3A_49 = arith.select %and3A_41, %get3A_46, %broadcast_in_dim3A_48 : vector<256x256xf32>
    %max3A_50 = arith.maximumf %max3A, %select_n3A_49 : vector<256x256xf32>
    %concatenate3A = tpu.concatenate %broadcast_in_dim3A_0, %max3A_50 in 0 : vector<2x256xf32>, vector<256x256xf32> -> vector<258x256xf32>
    %concatenate3A_51 = tpu.concatenate %broadcast_in_dim3A_2, %max3A_50, %broadcast_in_dim3A_2 in 0 : vector<1x256xf32>, vector<256x256xf32>, vector<1x256xf32> -> vector<258x256xf32>
    %concatenate3A_52 = tpu.concatenate %max3A_50, %broadcast_in_dim3A_0 in 0 : vector<256x256xf32>, vector<2x256xf32> -> vector<258x256xf32>
    %max3A_53 = arith.maximumf %concatenate3A, %concatenate3A_51 : vector<258x256xf32>
    %max3A_54 = arith.maximumf %max3A_53, %concatenate3A_52 : vector<258x256xf32>
    %concatenate3A_55 = tpu.concatenate %broadcast_in_dim3A_4, %max3A_54 in 1 : vector<258x2xf32>, vector<258x256xf32> -> vector<258x258xf32>
    %concatenate3A_56 = tpu.concatenate %broadcast_in_dim3A_6, %max3A_54, %broadcast_in_dim3A_6 in 1 : vector<258x1xf32>, vector<258x256xf32>, vector<258x1xf32> -> vector<258x258xf32>
    %concatenate3A_57 = tpu.concatenate %max3A_54, %broadcast_in_dim3A_4 in 1 : vector<258x256xf32>, vector<258x2xf32> -> vector<258x258xf32>
    %max3A_58 = arith.maximumf %concatenate3A_55, %concatenate3A_56 : vector<258x258xf32>
    %max3A_59 = arith.maximumf %max3A_58, %concatenate3A_57 : vector<258x258xf32>
    %swap3A = arith.constant 0 : index
    %swap3A_60 = arith.constant 0 : index
    %swap3A_61 = arith.constant 0 : index
    %swap3A_62 = arith.constant 0 : index
    %swap3A_63 = arith.constant 0 : index
    %swap3A_64 = vector.load %arg3[%swap3A, %swap3A_60, %swap3A_61, %swap3A_62, %swap3A_63] : memref<1x1x6x258x258xf32, #tpu.memory_space<vmem>>, vector<1x1x1x258x258xf32>
    %swap3A_65 = vector.shape_cast %swap3A_64 : vector<1x1x1x258x258xf32> to vector<258x258xf32>
    %swap3A_66 = vector.shape_cast %max3A_59 : vector<258x258xf32> to vector<1x1x1x258x258xf32>
    tpu.vector_store %arg3[%swap3A, %swap3A_60, %swap3A_61, %swap3A_62, %swap3A_63], %swap3A_66 {strides = array<i32>} : memref<1x1x6x258x258xf32, #tpu.memory_space<vmem>>, vector<1x1x1x258x258xf32>,
    %mul3A_67 = arith.constant 6 : i32
    %mul3A_68 = arith.muli %mul3A_67, %arg0 : i32
    %add3A_69 = arith.constant -1 : i32
    %add3A_70 = arith.addi %mul3A_68, %add3A_69 : i32
    %ge3A_71 = arith.constant 0 : i32
    %ge3A_72 = arith.cmpi sge, %add3A_70, %ge3A_71 : i32
    %le3A_73 = arith.constant 255 : i32
    %le3A_74 = arith.cmpi sle, %add3A_70, %le3A_73 : i32
    %and3A_75 = arith.andi %ge3A_72, %le3A_74 : i1
    %get3A_76 = arith.constant 1 : index
    %get3A_77 = arith.constant 0 : index
    %get3A_78 = arith.constant 0 : index
    %get3A_79 = vector.load %arg1[%get3A_76, %get3A_77, %get3A_78] : memref<2x256x256xf32, #tpu.memory_space<vmem>>, vector<1x256x256xf32>
    %get3A_80 = vector.shape_cast %get3A_79 : vector<1x256x256xf32> to vector<256x256xf32>
    %jit3A_81 = arith.constant 0.000000e+00 : f32
    %broadcast_in_dim3A_82 = vector.broadcast %jit3A_81 : f32 to vector<256x256xf32>
    %select_n3A_83 = arith.select %and3A_75, %get3A_80, %broadcast_in_dim3A_82 : vector<256x256xf32>
    %mul3A_84 = arith.constant 6 : i32
    %mul3A_85 = arith.muli %mul3A_84, %arg0 : i32
    %add3A_86 = arith.constant 0 : i32
    %add3A_87 = arith.addi %mul3A_85, %add3A_86 : i32
    %ge3A_88 = arith.constant 0 : i32
    %ge3A_89 = arith.cmpi sge, %add3A_87, %ge3A_88 : i32
    %le3A_90 = arith.constant 255 : i32
    %le3A_91 = arith.cmpi sle, %add3A_87, %le3A_90 : i32
    %and3A_92 = arith.andi %ge3A_89, %le3A_91 : i1
    %get3A_93 = arith.constant 0 : index
    %get3A_94 = arith.constant 0 : index
    %get3A_95 = arith.constant 0 : index
    %get3A_96 = vector.load %arg2[%get3A_93, %get3A_94, %get3A_95] : memref<6x256x256xf32, #tpu.memory_space<vmem>>, vector<1x256x256xf32>
    %get3A_97 = vector.shape_cast %get3A_96 : vector<1x256x256xf32> to vector<256x256xf32>
    %jit3A_98 = arith.constant 0.000000e+00 : f32
    %broadcast_in_dim3A_99 = vector.broadcast %jit3A_98 : f32 to vector<256x256xf32>
    %select_n3A_100 = arith.select %and3A_92, %get3A_97, %broadcast_in_dim3A_99 : vector<256x256xf32>
    %max3A_101 = arith.maximumf %select_n3A_83, %select_n3A_100 : vector<256x256xf32>
    %mul3A_102 = arith.constant 6 : i32
    %mul3A_103 = arith.muli %mul3A_102, %arg0 : i32
    %add3A_104 = arith.constant 1 : i32
    %add3A_105 = arith.addi %mul3A_103, %add3A_104 : i32
    %ge3A_106 = arith.constant 0 : i32
    %ge3A_107 = arith.cmpi sge, %add3A_105, %ge3A_106 : i32
    %le3A_108 = arith.constant 255 : i32
    %le3A_109 = arith.cmpi sle, %add3A_105, %le3A_108 : i32
    %and3A_110 = arith.andi %ge3A_107, %le3A_109 : i1
    %get3A_111 = arith.constant 1 : index
    %get3A_112 = arith.constant 0 : index
    %get3A_113 = arith.constant 0 : index
    %get3A_114 = vector.load %arg2[%get3A_111, %get3A_112, %get3A_113] : memref<6x256x256xf32, #tpu.memory_space<vmem>>, vector<1x256x256xf32>
    %get3A_115 = vector.shape_cast %get3A_114 : vector<1x256x256xf32> to vector<256x256xf32>
    %jit3A_116 = arith.constant 0.000000e+00 : f32
    %broadcast_in_dim3A_117 = vector.broadcast %jit3A_116 : f32 to vector<256x256xf32>
    %select_n3A_118 = arith.select %and3A_110, %get3A_115, %broadcast_in_dim3A_117 : vector<256x256xf32>
    %max3A_119 = arith.maximumf %max3A_101, %select_n3A_118 : vector<256x256xf32>
    %concatenate3A_120 = tpu.concatenate %broadcast_in_dim3A_0, %max3A_119 in 0 : vector<2x256xf32>, vector<256x256xf32> -> vector<258x256xf32>
    %concatenate3A_121 = tpu.concatenate %broadcast_in_dim3A_2, %max3A_119, %broadcast_in_dim3A_2 in 0 : vector<1x256xf32>, vector<256x256xf32>, vector<1x256xf32> -> vector<258x256xf32>
    %concatenate3A_122 = tpu.concatenate %max3A_119, %broadcast_in_dim3A_0 in 0 : vector<256x256xf32>, vector<2x256xf32> -> vector<258x256xf32>
    %max3A_123 = arith.maximumf %concatenate3A_120, %concatenate3A_121 : vector<258x256xf32>
    %max3A_124 = arith.maximumf %max3A_123, %concatenate3A_122 : vector<258x256xf32>
    %concatenate3A_125 = tpu.concatenate %broadcast_in_dim3A_4, %max3A_124 in 1 : vector<258x2xf32>, vector<258x256xf32> -> vector<258x258xf32>
    %concatenate3A_126 = tpu.concatenate %broadcast_in_dim3A_6, %max3A_124, %broadcast_in_dim3A_6 in 1 : vector<258x1xf32>, vector<258x256xf32>, vector<258x1xf32> -> vector<258x258xf32>
    %concatenate3A_127 = tpu.concatenate %max3A_124, %broadcast_in_dim3A_4 in 1 : vector<258x256xf32>, vector<258x2xf32> -> vector<258x258xf32>
    %max3A_128 = arith.maximumf %concatenate3A_125, %concatenate3A_126 : vector<258x258xf32>
    %max3A_129 = arith.maximumf %max3A_128, %concatenate3A_127 : vector<258x258xf32>
    %swap3A_130 = arith.constant 0 : index
    %swap3A_131 = arith.constant 0 : index
    %swap3A_132 = arith.constant 1 : index
    %swap3A_133 = arith.constant 0 : index
    %swap3A_134 = arith.constant 0 : index
    %swap3A_135 = vector.load %arg3[%swap3A_130, %swap3A_131, %swap3A_132, %swap3A_133, %swap3A_134] : memref<1x1x6x258x258xf32, #tpu.memory_space<vmem>>, vector<1x1x1x258x258xf32>
    %swap3A_136 = vector.shape_cast %swap3A_135 : vector<1x1x1x258x258xf32> to vector<258x258xf32>
    %swap3A_137 = vector.shape_cast %max3A_129 : vector<258x258xf32> to vector<1x1x1x258x258xf32>
    tpu.vector_store %arg3[%swap3A_130, %swap3A_131, %swap3A_132, %swap3A_133, %swap3A_134], %swap3A_137 {strides = array<i32>} : memref<1x1x6x258x258xf32, #tpu.memory_space<vmem>>, vector<1x1x1x258x258xf32>,
    %mul3A_138 = arith.constant 6 : i32
    %mul3A_139 = arith.muli %mul3A_138, %arg0 : i32
    %add3A_140 = arith.constant 0 : i32
    %add3A_141 = arith.addi %mul3A_139, %add3A_140 : i32
    %ge3A_142 = arith.constant 0 : i32
    %ge3A_143 = arith.cmpi sge, %add3A_141, %ge3A_142 : i32
    %le3A_144 = arith.constant 255 : i32
    %le3A_145 = arith.cmpi sle, %add3A_141, %le3A_144 : i32
    %and3A_146 = arith.andi %ge3A_143, %le3A_145 : i1
    %get3A_147 = arith.constant 0 : index
    %get3A_148 = arith.constant 0 : index
    %get3A_149 = arith.constant 0 : index
    %get3A_150 = vector.load %arg2[%get3A_147, %get3A_148, %get3A_149] : memref<6x256x256xf32, #tpu.memory_space<vmem>>, vector<1x256x256xf32>
    %get3A_151 = vector.shape_cast %get3A_150 : vector<1x256x256xf32> to vector<256x256xf32>
    %jit3A_152 = arith.constant 0.000000e+00 : f32
    %broadcast_in_dim3A_153 = vector.broadcast %jit3A_152 : f32 to vector<256x256xf32>
    %select_n3A_154 = arith.select %and3A_146, %get3A_151, %broadcast_in_dim3A_153 : vector<256x256xf32>
    %mul3A_155 = arith.constant 6 : i32
    %mul3A_156 = arith.muli %mul3A_155, %arg0 : i32
    %add3A_157 = arith.constant 1 : i32
    %add3A_158 = arith.addi %mul3A_156, %add3A_157 : i32
    %ge3A_159 = arith.constant 0 : i32
    %ge3A_160 = arith.cmpi sge, %add3A_158, %ge3A_159 : i32
    %le3A_161 = arith.constant 255 : i32
    %le3A_162 = arith.cmpi sle, %add3A_158, %le3A_161 : i32
    %and3A_163 = arith.andi %ge3A_160, %le3A_162 : i1
    %get3A_164 = arith.constant 1 : index
    %get3A_165 = arith.constant 0 : index
    %get3A_166 = arith.constant 0 : index
    %get3A_167 = vector.load %arg2[%get3A_164, %get3A_165, %get3A_166] : memref<6x256x256xf32, #tpu.memory_space<vmem>>, vector<1x256x256xf32>
    %get3A_168 = vector.shape_cast %get3A_167 : vector<1x256x256xf32> to vector<256x256xf32>
    %jit3A_169 = arith.constant 0.000000e+00 : f32
    %broadcast_in_dim3A_170 = vector.broadcast %jit3A_169 : f32 to vector<256x256xf32>
    %select_n3A_171 = arith.select %and3A_163, %get3A_168, %broadcast_in_dim3A_170 : vector<256x256xf32>
    %max3A_172 = arith.maximumf %select_n3A_154, %select_n3A_171 : vector<256x256xf32>
    %mul3A_173 = arith.constant 6 : i32
    %mul3A_174 = arith.muli %mul3A_173, %arg0 : i32
    %add3A_175 = arith.constant 2 : i32
    %add3A_176 = arith.addi %mul3A_174, %add3A_175 : i32
    %ge3A_177 = arith.constant 0 : i32
    %ge3A_178 = arith.cmpi sge, %add3A_176, %ge3A_177 : i32
    %le3A_179 = arith.constant 255 : i32
    %le3A_180 = arith.cmpi sle, %add3A_176, %le3A_179 : i32
    %and3A_181 = arith.andi %ge3A_178, %le3A_180 : i1
    %get3A_182 = arith.constant 2 : index
    %get3A_183 = arith.constant 0 : index
    %get3A_184 = arith.constant 0 : index
    %get3A_185 = vector.load %arg2[%get3A_182, %get3A_183, %get3A_184] : memref<6x256x256xf32, #tpu.memory_space<vmem>>, vector<1x256x256xf32>
    %get3A_186 = vector.shape_cast %get3A_185 : vector<1x256x256xf32> to vector<256x256xf32>
    %jit3A_187 = arith.constant 0.000000e+00 : f32
    %broadcast_in_dim3A_188 = vector.broadcast %jit3A_187 : f32 to vector<256x256xf32>
    %select_n3A_189 = arith.select %and3A_181, %get3A_186, %broadcast_in_dim3A_188 : vector<256x256xf32>
    %max3A_190 = arith.maximumf %max3A_172, %select_n3A_189 : vector<256x256xf32>
    %concatenate3A_191 = tpu.concatenate %broadcast_in_dim3A_0, %max3A_190 in 0 : vector<2x256xf32>, vector<256x256xf32> -> vector<258x256xf32>
    %concatenate3A_192 = tpu.concatenate %broadcast_in_dim3A_2, %max3A_190, %broadcast_in_dim3A_2 in 0 : vector<1x256xf32>, vector<256x256xf32>, vector<1x256xf32> -> vector<258x256xf32>
    %concatenate3A_193 = tpu.concatenate %max3A_190, %broadcast_in_dim3A_0 in 0 : vector<256x256xf32>, vector<2x256xf32> -> vector<258x256xf32>
    %max3A_194 = arith.maximumf %concatenate3A_191, %concatenate3A_192 : vector<258x256xf32>
    %max3A_195 = arith.maximumf %max3A_194, %concatenate3A_193 : vector<258x256xf32>
    %concatenate3A_196 = tpu.concatenate %broadcast_in_dim3A_4, %max3A_195 in 1 : vector<258x2xf32>, vector<258x256xf32> -> vector<258x258xf32>
    %concatenate3A_197 = tpu.concatenate %broadcast_in_dim3A_6, %max3A_195, %broadcast_in_dim3A_6 in 1 : vector<258x1xf32>, vector<258x256xf32>, vector<258x1xf32> -> vector<258x258xf32>
    %concatenate3A_198 = tpu.concatenate %max3A_195, %broadcast_in_dim3A_4 in 1 : vector<258x256xf32>, vector<258x2xf32> -> vector<258x258xf32>
    %max3A_199 = arith.maximumf %concatenate3A_196, %concatenate3A_197 : vector<258x258xf32>
    %max3A_200 = arith.maximumf %max3A_199, %concatenate3A_198 : vector<258x258xf32>
    %swap3A_201 = arith.constant 0 : index
    %swap3A_202 = arith.constant 0 : index
    %swap3A_203 = arith.constant 2 : index
    %swap3A_204 = arith.constant 0 : index
    %swap3A_205 = arith.constant 0 : index
    %swap3A_206 = vector.load %arg3[%swap3A_201, %swap3A_202, %swap3A_203, %swap3A_204, %swap3A_205] : memref<1x1x6x258x258xf32, #tpu.memory_space<vmem>>, vector<1x1x1x258x258xf32>
    %swap3A_207 = vector.shape_cast %swap3A_206 : vector<1x1x1x258x258xf32> to vector<258x258xf32>
    %swap3A_208 = vector.shape_cast %max3A_200 : vector<258x258xf32> to vector<1x1x1x258x258xf32>
    tpu.vector_store %arg3[%swap3A_201, %swap3A_202, %swap3A_203, %swap3A_204, %swap3A_205], %swap3A_208 {strides = array<i32>} : memref<1x1x6x258x258xf32, #tpu.memory_space<vmem>>, vector<1x1x1x258x258xf32>,
    %mul3A_209 = arith.constant 6 : i32
    %mul3A_210 = arith.muli %mul3A_209, %arg0 : i32
    %add3A_211 = arith.constant 1 : i32
    %add3A_212 = arith.addi %mul3A_210, %add3A_211 : i32
    %ge3A_213 = arith.constant 0 : i32
    %ge3A_214 = arith.cmpi sge, %add3A_212, %ge3A_213 : i32
    %le3A_215 = arith.constant 255 : i32
    %le3A_216 = arith.cmpi sle, %add3A_212, %le3A_215 : i32
    %and3A_217 = arith.andi %ge3A_214, %le3A_216 : i1
    %get3A_218 = arith.constant 1 : index
    %get3A_219 = arith.constant 0 : index
    %get3A_220 = arith.constant 0 : index
    %get3A_221 = vector.load %arg2[%get3A_218, %get3A_219, %get3A_220] : memref<6x256x256xf32, #tpu.memory_space<vmem>>, vector<1x256x256xf32>
    %get3A_222 = vector.shape_cast %get3A_221 : vector<1x256x256xf32> to vector<256x256xf32>
    %jit3A_223 = arith.constant 0.000000e+00 : f32
    %broadcast_in_dim3A_224 = vector.broadcast %jit3A_223 : f32 to vector<256x256xf32>
    %select_n3A_225 = arith.select %and3A_217, %get3A_222, %broadcast_in_dim3A_224 : vector<256x256xf32>
    %mul3A_226 = arith.constant 6 : i32
    %mul3A_227 = arith.muli %mul3A_226, %arg0 : i32
    %add3A_228 = arith.constant 2 : i32
    %add3A_229 = arith.addi %mul3A_227, %add3A_228 : i32
    %ge3A_230 = arith.constant 0 : i32
    %ge3A_231 = arith.cmpi sge, %add3A_229, %ge3A_230 : i32
    %le3A_232 = arith.constant 255 : i32
    %le3A_233 = arith.cmpi sle, %add3A_229, %le3A_232 : i32
    %and3A_234 = arith.andi %ge3A_231, %le3A_233 : i1
    %get3A_235 = arith.constant 2 : index
    %get3A_236 = arith.constant 0 : index
    %get3A_237 = arith.constant 0 : index
    %get3A_238 = vector.load %arg2[%get3A_235, %get3A_236, %get3A_237] : memref<6x256x256xf32, #tpu.memory_space<vmem>>, vector<1x256x256xf32>
    %get3A_239 = vector.shape_cast %get3A_238 : vector<1x256x256xf32> to vector<256x256xf32>
    %jit3A_240 = arith.constant 0.000000e+00 : f32
    %broadcast_in_dim3A_241 = vector.broadcast %jit3A_240 : f32 to vector<256x256xf32>
    %select_n3A_242 = arith.select %and3A_234, %get3A_239, %broadcast_in_dim3A_241 : vector<256x256xf32>
    %max3A_243 = arith.maximumf %select_n3A_225, %select_n3A_242 : vector<256x256xf32>
    %mul3A_244 = arith.constant 6 : i32
    %mul3A_245 = arith.muli %mul3A_244, %arg0 : i32
    %add3A_246 = arith.constant 3 : i32
    %add3A_247 = arith.addi %mul3A_245, %add3A_246 : i32
    %ge3A_248 = arith.constant 0 : i32
    %ge3A_249 = arith.cmpi sge, %add3A_247, %ge3A_248 : i32
    %le3A_250 = arith.constant 255 : i32
    %le3A_251 = arith.cmpi sle, %add3A_247, %le3A_250 : i32
    %and3A_252 = arith.andi %ge3A_249, %le3A_251 : i1
    %get3A_253 = arith.constant 3 : index
    %get3A_254 = arith.constant 0 : index
    %get3A_255 = arith.constant 0 : index
    %get3A_256 = vector.load %arg2[%get3A_253, %get3A_254, %get3A_255] : memref<6x256x256xf32, #tpu.memory_space<vmem>>, vector<1x256x256xf32>
    %get3A_257 = vector.shape_cast %get3A_256 : vector<1x256x256xf32> to vector<256x256xf32>
    %jit3A_258 = arith.constant 0.000000e+00 : f32
    %broadcast_in_dim3A_259 = vector.broadcast %jit3A_258 : f32 to vector<256x256xf32>
    %select_n3A_260 = arith.select %and3A_252, %get3A_257, %broadcast_in_dim3A_259 : vector<256x256xf32>
    %max3A_261 = arith.maximumf %max3A_243, %select_n3A_260 : vector<256x256xf32>
    %concatenate3A_262 = tpu.concatenate %broadcast_in_dim3A_0, %max3A_261 in 0 : vector<2x256xf32>, vector<256x256xf32> -> vector<258x256xf32>
    %concatenate3A_263 = tpu.concatenate %broadcast_in_dim3A_2, %max3A_261, %broadcast_in_dim3A_2 in 0 : vector<1x256xf32>, vector<256x256xf32>, vector<1x256xf32> -> vector<258x256xf32>
    %concatenate3A_264 = tpu.concatenate %max3A_261, %broadcast_in_dim3A_0 in 0 : vector<256x256xf32>, vector<2x256xf32> -> vector<258x256xf32>
    %max3A_265 = arith.maximumf %concatenate3A_262, %concatenate3A_263 : vector<258x256xf32>
    %max3A_266 = arith.maximumf %max3A_265, %concatenate3A_264 : vector<258x256xf32>
    %concatenate3A_267 = tpu.concatenate %broadcast_in_dim3A_4, %max3A_266 in 1 : vector<258x2xf32>, vector<258x256xf32> -> vector<258x258xf32>
    %concatenate3A_268 = tpu.concatenate %broadcast_in_dim3A_6, %max3A_266, %broadcast_in_dim3A_6 in 1 : vector<258x1xf32>, vector<258x256xf32>, vector<258x1xf32> -> vector<258x258xf32>
    %concatenate3A_269 = tpu.concatenate %max3A_266, %broadcast_in_dim3A_4 in 1 : vector<258x256xf32>, vector<258x2xf32> -> vector<258x258xf32>
    %max3A_270 = arith.maximumf %concatenate3A_267, %concatenate3A_268 : vector<258x258xf32>
    %max3A_271 = arith.maximumf %max3A_270, %concatenate3A_269 : vector<258x258xf32>
    %swap3A_272 = arith.constant 0 : index
    %swap3A_273 = arith.constant 0 : index
    %swap3A_274 = arith.constant 3 : index
    %swap3A_275 = arith.constant 0 : index
    %swap3A_276 = arith.constant 0 : index
    %swap3A_277 = vector.load %arg3[%swap3A_272, %swap3A_273, %swap3A_274, %swap3A_275, %swap3A_276] : memref<1x1x6x258x258xf32, #tpu.memory_space<vmem>>, vector<1x1x1x258x258xf32>
    %swap3A_278 = vector.shape_cast %swap3A_277 : vector<1x1x1x258x258xf32> to vector<258x258xf32>
    %swap3A_279 = vector.shape_cast %max3A_271 : vector<258x258xf32> to vector<1x1x1x258x258xf32>
    tpu.vector_store %arg3[%swap3A_272, %swap3A_273, %swap3A_274, %swap3A_275, %swap3A_276], %swap3A_279 {strides = array<i32>} : memref<1x1x6x258x258xf32, #tpu.memory_space<vmem>>, vector<1x1x1x258x258xf32>,
    %mul3A_280 = arith.constant 6 : i32
    %mul3A_281 = arith.muli %mul3A_280, %arg0 : i32
    %add3A_282 = arith.constant 2 : i32
    %add3A_283 = arith.addi %mul3A_281, %add3A_282 : i32
    %ge3A_284 = arith.constant 0 : i32
    %ge3A_285 = arith.cmpi sge, %add3A_283, %ge3A_284 : i32
    %le3A_286 = arith.constant 255 : i32
    %le3A_287 = arith.cmpi sle, %add3A_283, %le3A_286 : i32
    %and3A_288 = arith.andi %ge3A_285, %le3A_287 : i1
    %get3A_289 = arith.constant 2 : index
    %get3A_290 = arith.constant 0 : index
    %get3A_291 = arith.constant 0 : index
    %get3A_292 = vector.load %arg2[%get3A_289, %get3A_290, %get3A_291] : memref<6x256x256xf32, #tpu.memory_space<vmem>>, vector<1x256x256xf32>
    %get3A_293 = vector.shape_cast %get3A_292 : vector<1x256x256xf32> to vector<256x256xf32>
    %jit3A_294 = arith.constant 0.000000e+00 : f32
    %broadcast_in_dim3A_295 = vector.broadcast %jit3A_294 : f32 to vector<256x256xf32>
    %select_n3A_296 = arith.select %and3A_288, %get3A_293, %broadcast_in_dim3A_295 : vector<256x256xf32>
    %mul3A_297 = arith.constant 6 : i32
    %mul3A_298 = arith.muli %mul3A_297, %arg0 : i32
    %add3A_299 = arith.constant 3 : i32
    %add3A_300 = arith.addi %mul3A_298, %add3A_299 : i32
    %ge3A_301 = arith.constant 0 : i32
    %ge3A_302 = arith.cmpi sge, %add3A_300, %ge3A_301 : i32
    %le3A_303 = arith.constant 255 : i32
    %le3A_304 = arith.cmpi sle, %add3A_300, %le3A_303 : i32
    %and3A_305 = arith.andi %ge3A_302, %le3A_304 : i1
    %get3A_306 = arith.constant 3 : index
    %get3A_307 = arith.constant 0 : index
    %get3A_308 = arith.constant 0 : index
    %get3A_309 = vector.load %arg2[%get3A_306, %get3A_307, %get3A_308] : memref<6x256x256xf32, #tpu.memory_space<vmem>>, vector<1x256x256xf32>
    %get3A_310 = vector.shape_cast %get3A_309 : vector<1x256x256xf32> to vector<256x256xf32>
    %jit3A_311 = arith.constant 0.000000e+00 : f32
    %broadcast_in_dim3A_312 = vector.broadcast %jit3A_311 : f32 to vector<256x256xf32>
    %select_n3A_313 = arith.select %and3A_305, %get3A_310, %broadcast_in_dim3A_312 : vector<256x256xf32>
    %max3A_314 = arith.maximumf %select_n3A_296, %select_n3A_313 : vector<256x256xf32>
    %mul3A_315 = arith.constant 6 : i32
    %mul3A_316 = arith.muli %mul3A_315, %arg0 : i32
    %add3A_317 = arith.constant 4 : i32
    %add3A_318 = arith.addi %mul3A_316, %add3A_317 : i32
    %ge3A_319 = arith.constant 0 : i32
    %ge3A_320 = arith.cmpi sge, %add3A_318, %ge3A_319 : i32
    %le3A_321 = arith.constant 255 : i32
    %le3A_322 = arith.cmpi sle, %add3A_318, %le3A_321 : i32
    %and3A_323 = arith.andi %ge3A_320, %le3A_322 : i1
    %get3A_324 = arith.constant 4 : index
    %get3A_325 = arith.constant 0 : index
    %get3A_326 = arith.constant 0 : index
    %get3A_327 = vector.load %arg2[%get3A_324, %get3A_325, %get3A_326] : memref<6x256x256xf32, #tpu.memory_space<vmem>>, vector<1x256x256xf32>
    %get3A_328 = vector.shape_cast %get3A_327 : vector<1x256x256xf32> to vector<256x256xf32>
    %jit3A_329 = arith.constant 0.000000e+00 : f32
    %broadcast_in_dim3A_330 = vector.broadcast %jit3A_329 : f32 to vector<256x256xf32>
    %select_n3A_331 = arith.select %and3A_323, %get3A_328, %broadcast_in_dim3A_330 : vector<256x256xf32>
    %max3A_332 = arith.maximumf %max3A_314, %select_n3A_331 : vector<256x256xf32>
    %concatenate3A_333 = tpu.concatenate %broadcast_in_dim3A_0, %max3A_332 in 0 : vector<2x256xf32>, vector<256x256xf32> -> vector<258x256xf32>
    %concatenate3A_334 = tpu.concatenate %broadcast_in_dim3A_2, %max3A_332, %broadcast_in_dim3A_2 in 0 : vector<1x256xf32>, vector<256x256xf32>, vector<1x256xf32> -> vector<258x256xf32>
    %concatenate3A_335 = tpu.concatenate %max3A_332, %broadcast_in_dim3A_0 in 0 : vector<256x256xf32>, vector<2x256xf32> -> vector<258x256xf32>
    %max3A_336 = arith.maximumf %concatenate3A_333, %concatenate3A_334 : vector<258x256xf32>
    %max3A_337 = arith.maximumf %max3A_336, %concatenate3A_335 : vector<258x256xf32>
    %concatenate3A_338 = tpu.concatenate %broadcast_in_dim3A_4, %max3A_337 in 1 : vector<258x2xf32>, vector<258x256xf32> -> vector<258x258xf32>
    %concatenate3A_339 = tpu.concatenate %broadcast_in_dim3A_6, %max3A_337, %broadcast_in_dim3A_6 in 1 : vector<258x1xf32>, vector<258x256xf32>, vector<258x1xf32> -> vector<258x258xf32>
    %concatenate3A_340 = tpu.concatenate %max3A_337, %broadcast_in_dim3A_4 in 1 : vector<258x256xf32>, vector<258x2xf32> -> vector<258x258xf32>
    %max3A_341 = arith.maximumf %concatenate3A_338, %concatenate3A_339 : vector<258x258xf32>
    %max3A_342 = arith.maximumf %max3A_341, %concatenate3A_340 : vector<258x258xf32>
    %swap3A_343 = arith.constant 0 : index
    %swap3A_344 = arith.constant 0 : index
    %swap3A_345 = arith.constant 4 : index
    %swap3A_346 = arith.constant 0 : index
    %swap3A_347 = arith.constant 0 : index
    %swap3A_348 = vector.load %arg3[%swap3A_343, %swap3A_344, %swap3A_345, %swap3A_346, %swap3A_347] : memref<1x1x6x258x258xf32, #tpu.memory_space<vmem>>, vector<1x1x1x258x258xf32>
    %swap3A_349 = vector.shape_cast %swap3A_348 : vector<1x1x1x258x258xf32> to vector<258x258xf32>
    %swap3A_350 = vector.shape_cast %max3A_342 : vector<258x258xf32> to vector<1x1x1x258x258xf32>
    tpu.vector_store %arg3[%swap3A_343, %swap3A_344, %swap3A_345, %swap3A_346, %swap3A_347], %swap3A_350 {strides = array<i32>} : memref<1x1x6x258x258xf32, #tpu.memory_space<vmem>>, vector<1x1x1x258x258xf32>,
    %mul3A_351 = arith.constant 6 : i32
    %mul3A_352 = arith.muli %mul3A_351, %arg0 : i32
    %add3A_353 = arith.constant 3 : i32
    %add3A_354 = arith.addi %mul3A_352, %add3A_353 : i32
    %ge3A_355 = arith.constant 0 : i32
    %ge3A_356 = arith.cmpi sge, %add3A_354, %ge3A_355 : i32
    %le3A_357 = arith.constant 255 : i32
    %le3A_358 = arith.cmpi sle, %add3A_354, %le3A_357 : i32
    %and3A_359 = arith.andi %ge3A_356, %le3A_358 : i1
    %get3A_360 = arith.constant 3 : index
    %get3A_361 = arith.constant 0 : index
    %get3A_362 = arith.constant 0 : index
    %get3A_363 = vector.load %arg2[%get3A_360, %get3A_361, %get3A_362] : memref<6x256x256xf32, #tpu.memory_space<vmem>>, vector<1x256x256xf32>
    %get3A_364 = vector.shape_cast %get3A_363 : vector<1x256x256xf32> to vector<256x256xf32>
    %jit3A_365 = arith.constant 0.000000e+00 : f32
    %broadcast_in_dim3A_366 = vector.broadcast %jit3A_365 : f32 to vector<256x256xf32>
    %select_n3A_367 = arith.select %and3A_359, %get3A_364, %broadcast_in_dim3A_366 : vector<256x256xf32>
    %mul3A_368 = arith.constant 6 : i32
    %mul3A_369 = arith.muli %mul3A_368, %arg0 : i32
    %add3A_370 = arith.constant 4 : i32
    %add3A_371 = arith.addi %mul3A_369, %add3A_370 : i32
    %ge3A_372 = arith.constant 0 : i32
    %ge3A_373 = arith.cmpi sge, %add3A_371, %ge3A_372 : i32
    %le3A_374 = arith.constant 255 : i32
    %le3A_375 = arith.cmpi sle, %add3A_371, %le3A_374 : i32
    %and3A_376 = arith.andi %ge3A_373, %le3A_375 : i1
    %get3A_377 = arith.constant 4 : index
    %get3A_378 = arith.constant 0 : index
    %get3A_379 = arith.constant 0 : index
    %get3A_380 = vector.load %arg2[%get3A_377, %get3A_378, %get3A_379] : memref<6x256x256xf32, #tpu.memory_space<vmem>>, vector<1x256x256xf32>
    %get3A_381 = vector.shape_cast %get3A_380 : vector<1x256x256xf32> to vector<256x256xf32>
    %jit3A_382 = arith.constant 0.000000e+00 : f32
    %broadcast_in_dim3A_383 = vector.broadcast %jit3A_382 : f32 to vector<256x256xf32>
    %select_n3A_384 = arith.select %and3A_376, %get3A_381, %broadcast_in_dim3A_383 : vector<256x256xf32>
    %max3A_385 = arith.maximumf %select_n3A_367, %select_n3A_384 : vector<256x256xf32>
    %mul3A_386 = arith.constant 6 : i32
    %mul3A_387 = arith.muli %mul3A_386, %arg0 : i32
    %add3A_388 = arith.constant 5 : i32
    %add3A_389 = arith.addi %mul3A_387, %add3A_388 : i32
    %ge3A_390 = arith.constant 0 : i32
    %ge3A_391 = arith.cmpi sge, %add3A_389, %ge3A_390 : i32
    %le3A_392 = arith.constant 255 : i32
    %le3A_393 = arith.cmpi sle, %add3A_389, %le3A_392 : i32
    %and3A_394 = arith.andi %ge3A_391, %le3A_393 : i1
    %get3A_395 = arith.constant 5 : index
    %get3A_396 = arith.constant 0 : index
    %get3A_397 = arith.constant 0 : index
    %get3A_398 = vector.load %arg2[%get3A_395, %get3A_396, %get3A_397] : memref<6x256x256xf32, #tpu.memory_space<vmem>>, vector<1x256x256xf32>
    %get3A_399 = vector.shape_cast %get3A_398 : vector<1x256x256xf32> to vector<256x256xf32>
    %jit3A_400 = arith.constant 0.000000e+00 : f32
    %broadcast_in_dim3A_401 = vector.broadcast %jit3A_400 : f32 to vector<256x256xf32>
    %select_n3A_402 = arith.select %and3A_394, %get3A_399, %broadcast_in_dim3A_401 : vector<256x256xf32>
    %max3A_403 = arith.maximumf %max3A_385, %select_n3A_402 : vector<256x256xf32>
    %concatenate3A_404 = tpu.concatenate %broadcast_in_dim3A_0, %max3A_403 in 0 : vector<2x256xf32>, vector<256x256xf32> -> vector<258x256xf32>
    %concatenate3A_405 = tpu.concatenate %broadcast_in_dim3A_2, %max3A_403, %broadcast_in_dim3A_2 in 0 : vector<1x256xf32>, vector<256x256xf32>, vector<1x256xf32> -> vector<258x256xf32>
    %concatenate3A_406 = tpu.concatenate %max3A_403, %broadcast_in_dim3A_0 in 0 : vector<256x256xf32>, vector<2x256xf32> -> vector<258x256xf32>
    %max3A_407 = arith.maximumf %concatenate3A_404, %concatenate3A_405 : vector<258x256xf32>
    %max3A_408 = arith.maximumf %max3A_407, %concatenate3A_406 : vector<258x256xf32>
    %concatenate3A_409 = tpu.concatenate %broadcast_in_dim3A_4, %max3A_408 in 1 : vector<258x2xf32>, vector<258x256xf32> -> vector<258x258xf32>
    %concatenate3A_410 = tpu.concatenate %broadcast_in_dim3A_6, %max3A_408, %broadcast_in_dim3A_6 in 1 : vector<258x1xf32>, vector<258x256xf32>, vector<258x1xf32> -> vector<258x258xf32>
    %concatenate3A_411 = tpu.concatenate %max3A_408, %broadcast_in_dim3A_4 in 1 : vector<258x256xf32>, vector<258x2xf32> -> vector<258x258xf32>
    %max3A_412 = arith.maximumf %concatenate3A_409, %concatenate3A_410 : vector<258x258xf32>
    %max3A_413 = arith.maximumf %max3A_412, %concatenate3A_411 : vector<258x258xf32>
    %swap3A_414 = arith.constant 0 : index
    %swap3A_415 = arith.constant 0 : index
    %swap3A_416 = arith.constant 5 : index
    %swap3A_417 = arith.constant 0 : index
    %swap3A_418 = arith.constant 0 : index
    %swap3A_419 = vector.load %arg3[%swap3A_414, %swap3A_415, %swap3A_416, %swap3A_417, %swap3A_418] : memref<1x1x6x258x258xf32, #tpu.memory_space<vmem>>, vector<1x1x1x258x258xf32>
    %swap3A_420 = vector.shape_cast %swap3A_419 : vector<1x1x1x258x258xf32> to vector<258x258xf32>
    %swap3A_421 = vector.shape_cast %max3A_413 : vector<258x258xf32> to vector<1x1x1x258x258xf32>
    tpu.vector_store %arg3[%swap3A_414, %swap3A_415, %swap3A_416, %swap3A_417, %swap3A_418], %swap3A_421 {strides = array<i32>} : memref<1x1x6x258x258xf32, #tpu.memory_space<vmem>>, vector<1x1x1x258x258xf32>,
    return
  }
  func.func @transform_0(%arg0: i32) -> (i32, i32, i32) {
    %mul3A = arith.constant 3 : i32
    %mul3A_0 = arith.muli %mul3A, %arg0 : i32
    %sub3A = arith.constant 1 : i32
    %sub3A_1 = arith.subi %mul3A_0, %sub3A : i32
    %max3A = arith.constant 0 : i32
    %max3A_2 = arith.maxsi %sub3A_1, %max3A : i32
    %c0_i32 = arith.constant 0 : i32
    %c0_i32_3 = arith.constant 0 : i32
    %c0_i32_4 = arith.constant 0 : i32
    return %max3A_2, %c0_i32, %c0_i32_3 : i32, i32, i32
  }
  func.func @transform_1(%arg0: i32) -> (i32, i32, i32) {
    %c0_i32 = arith.constant 0 : i32
    %c0_i32_0 = arith.constant 0 : i32
    %c0_i32_1 = arith.constant 0 : i32
    return %arg0, %c0_i32, %c0_i32_0 : i32, i32, i32
  }
  func.func @transform_2(%arg0: i32) -> (i32, i32, i32, i32, i32) {
    %c0_i32 = arith.constant 0 : i32
    %c0_i32_0 = arith.constant 0 : i32
    %c0_i32_1 = arith.constant 0 : i32
    %c0_i32_2 = arith.constant 0 : i32
    %c0_i32_3 = arith.constant 0 : i32
    return %c0_i32, %c0_i32_0, %arg0, %c0_i32_1, %c0_i32_2 : i32, i32, i32, i32, i32
  }
}

</mosaic_0001>

<sc_bundles>
// kernel: kernel.4.cloned.1.call-start
scs
__scs_entry_jumppad:
0x0: {  	(pc) =	sbr.rel $0x88, $3  }
0x1: {  	(tag) =	ssettag $0x0;
	lr =	simm.s32 $0x1  }
0x2: {  	[smem:$0x3F9D] =	sst lr;
	_ =	strace $0xD0000000  }
0x3: {  	_ = 	snop  }
0x4: {  	_ = 	snop  }
0x5: {  	_ = 	snop  }
0x6: {  	_ = 	snop  }
0x7: {  	_ = 	snop  }
__scs_overlays_trampoline_lowered:
0x8: {  	[smem:$0x3FAC] =	sst s0  }
0x9: {  	[smem:$0x3FAD] =	sst s1  }
0xa: {  	[smem:$0x3FAE] =	sst s2  }
0xb: {  	[smem:$0x3FAF] =	sst s3  }
0xc: {  	[smem:$0x3FB0] =	sst s4  }
0xd: {  	[smem:$0x3FB1] =	sst s5  }
0xe: {  	[smem:$0x3FB2] =	sst s6  }
0xf: {  	[smem:$0x3FB3] =	sst s7  }
0x10: {  	[smem:$0x3FB4] =	sst s8  }
0x11: {  	[smem:$0x3FB5] =	sst s9;
	s0 =	simm.s32 @!p0 $0x0  }
0x12: {  	s1 =	sld [smem:$0x3F9B];
	s0 =	simm.s32 @p0 $0x1  }
0x13: {  	[smem:$0x3FB6] =	sst s0;
	s0 =	simm.s32 @!p1 $0x0  }
0x14: {  	s2 =	sld [smem:$0x3F9A];
	s0 =	simm.s32 @p1 $0x1  }
0x15: {  	[smem:$0x3FB7] =	sst s0;
	s0 =	simm.s32 @!p2 $0x0  }
0x16: {  	s3 =	sld [smem:$0x3FDB];
	s0 =	simm.s32 @p2 $0x1  }
0x17: {  	s4 =	simm.s32 $0x1BF5;
	[smem:$0x3FB9] =	sst s0  }
0x18: {  	s0 =	sld [smem:$0x3F9C];
	_ =	swait.ge [sflag:s4], $0x0  }
0x19: {  	s7 =	sld [smem:$0x3F9D]  }
0x1a: {  	s8 =	sadd.s32 $0xFFFFE003, lr  }
0x1b: {  	s9 =	sadd.s32 $0xFFFFFEF7, lr;
	s5 =	simm.s32 $0xFFFFFFFF;
	p2 =	slt.u32 s8, $0xFFFFF086  }
0x1c: {  	p1 =	slt.u32 s9, $0xF7A;
	s5 =	simm.s32 @!p2 $0x0  }
0x1d: {  	s5 =	simm.s32 @p1 $0x1;
	p0 =	seq.s32 s7, s2  }
0x1e: {  	s7 =	smul.u32 @!p0 $0xF7A, s2;
	p2 =	seq.s32 @!p0 s5, $0x0  }
0x1f: {  	s9 =	smul.u32 $0xF7A, s1;
	s8 =	simm.s32 @!p0 $0x1BF5;
	p2 =	por !p2, p0  }
0x20: {  	[sflag:s8] =	ssyncset.s32 @!p0 $0xFFFFF086;
	s6 =	sadd.s32 @!p0 s3, s7;
	s7 =	simm.s32 @!p0 $0x108  }
0x21: {  	s3 =	sadd.s32 s3, s9;
	s6 =	sadd.s32 @!p0 $0x88, s6;
	s7 =	simm.s32 @p2 $0x1082  }
0x22: {  	[simem:s7], [sflag:s8] =	dma.local @!p0 [hbm:s6], $0xF7A  }
0x23: {  	s9 =	sor.u32 $0xD0000000, s2;
	s6 =	simm.s32 $0x108;
	_ =	swait.ge @!p0 [sflag:s8], $0x0  }
0x24: {  	s3 =	sadd.s32 $0x88, s3;
	s6 =	simm.s32 @!p1 $0x1082;
	[sflag:s4] =	ssyncset.s32 $0xFFFFF086  }
0x25: {  	[simem:s6], [sflag:s4] =	dma.local [hbm:s3], $0xF7A  }
0x26: {  	[smem:$0x3F9D] =	sst s1;
	(tag) =	ssettag s2;
	_ =	strace s9  }
0x27: {  	s1 =	sld [smem:$0x3FAD]  }
0x28: {  	s2 =	sld [smem:$0x3FAE]  }
0x29: {  	s4 =	sld [smem:$0x3FB0]  }
0x2a: {  	p0 =	seq.s32 s5, $0x0;
	s5 =	sld [smem:$0x3FB1]  }
0x2b: {  	s6 =	sld [smem:$0x3FB2]  }
0x2c: {  	s7 =	sld [smem:$0x3FB3]  }
0x2d: {  	s3 =	simm.s32 $0x108;
	s8 =	sld [smem:$0x3FB4]  }
0x2e: {  	s3 =	simm.s32 @!p0 $0x1082;
	s9 =	sld [smem:$0x3FB5]  }
0x2f: {  	lr =	sadd.s32 s0, s3;
	s0 =	sld [smem:$0x3FAC]  }
0x30: {  	s3 =	sld [smem:$0x3FAF]  }
0x31: {  	[smem:$0x3FB8] =	sst s10  }
0x32: {  	s10 =	sld [smem:$0x3FB6];
	_ =	sdelay $0x3  }
0x33: {  	p0 =	seq.s32 s10, $0x1;
	s10 =	sld [smem:$0x3FB8];
	_ =	sdelay $0x3  }
0x34: {  	[smem:$0x3FB8] =	sst s10  }
0x35: {  	s10 =	sld [smem:$0x3FB7];
	_ =	sdelay $0x3  }
0x36: {  	p1 =	seq.s32 s10, $0x1;
	s10 =	sld [smem:$0x3FB8];
	_ =	sdelay $0x3  }
0x37: {  	[smem:$0x3FB8] =	sst s10  }
0x38: {  	s10 =	sld [smem:$0x3FB9]  }
0x39: {  	_ = 	snop;
	(pc) =	sbr.ind lr, $3  }
0x3a: {  	_ = 	snop  }
0x3b: {  	_ = 	snop  }
0x3c: {  	p2 =	seq.s32 s10, $0x1;
	s10 =	sld [smem:$0x3FB8]  }
0x3d: {  	_ =	shalt  }
0x3e: {  	_ =	shalt  }
0x3f: {  	_ =	shalt  }
0x40: {  	_ =	shalt  }
0x41: {  	_ =	shalt  }
0x42: {  	_ =	shalt  }
0x43: {  	_ =	shalt  }
0x44: {  	_ =	shalt  }
0x45: {  	_ =	shalt  }
0x46: {  	_ =	shalt  }
0x47: {  	_ =	shalt  }
0x48: {  	_ =	shalt  }
0x49: {  	_ =	shalt  }
0x4a: {  	_ =	shalt  }
0x4b: {  	_ =	shalt  }
0x4c: {  	_ =	shalt  }
0x4d: {  	_ =	shalt  }
0x4e: {  	_ =	shalt  }
0x4f: {  	_ =	shalt  }
0x50: {  	_ =	shalt  }
0x51: {  	_ =	shalt  }
0x52: {  	_ =	shalt  }
0x53: {  	_ =	shalt  }
0x54: {  	_ =	shalt  }
0x55: {  	_ =	shalt  }
0x56: {  	_ =	shalt  }
0x57: {  	_ =	shalt  }
0x58: {  	_ =	shalt  }
0x59: {  	_ =	shalt  }
0x5a: {  	_ =	shalt  }
0x5b: {  	_ =	shalt  }
0x5c: {  	_ =	shalt  }
0x5d: {  	_ =	shalt  }
0x5e: {  	_ =	shalt  }
0x5f: {  	_ =	shalt  }
0x60: {  	_ =	shalt  }
0x61: {  	_ =	shalt  }
0x62: {  	_ =	shalt  }
0x63: {  	_ =	shalt  }
0x64: {  	_ =	shalt  }
0x65: {  	_ =	shalt  }
0x66: {  	_ =	shalt  }
0x67: {  	_ =	shalt  }
0x68: {  	_ =	shalt  }
0x69: {  	_ =	shalt  }
0x6a: {  	_ =	shalt  }
0x6b: {  	_ =	shalt  }
0x6c: {  	_ =	shalt  }
0x6d: {  	_ =	shalt  }
0x6e: {  	_ =	shalt  }
0x6f: {  	_ =	shalt  }
0x70: {  	_ =	shalt  }
0x71: {  	_ =	shalt  }
0x72: {  	_ =	shalt  }
0x73: {  	_ =	shalt  }
0x74: {  	_ =	shalt  }
0x75: {  	_ =	shalt  }
0x76: {  	_ =	shalt  }
0x77: {  	_ =	shalt  }
0x78: {  	_ =	shalt  }
0x79: {  	_ =	shalt  }
0x7a: {  	_ =	shalt  }
0x7b: {  	_ =	shalt  }
0x7c: {  	_ =	shalt  }
0x7d: {  	_ =	shalt  }
0x7e: {  	_ =	shalt  }
0x7f: {  	_ =	shalt  }
0x80: {  	_ =	shalt  }
0x81: {  	_ =	shalt  }
0x82: {  	_ =	shalt  }
0x83: {  	_ =	shalt  }
0x84: {  	_ =	shalt  }
0x85: {  	_ =	shalt  }
0x86: {  	_ =	shalt  }
0x87: {  	_ =	shalt  }
.Lfunc_end0:
.L_simem_size_0:
called_computation_lowered:
.L_overlay_start_0:
0x88: {  	s2 =	sld [smem:$0x3FD9]  }
0x89: {  	s3 =	sld [smem:$0x3FFE];
	_ =	sdelay $0x1  }
0x8a: {  	s1 =	srdreg.scid  }
0x8b: {  	s0 =	sand.u32 $0x1, s1  }
0x8c: {  	s14 =	sshll.u32 s0, $0xA;
	s2 =	sadd.s32 s3, s2  }
0x8d: {  	s2 =	sadd.s32 s2, s14  }
0x8e: {  	[smem:$0x3FC4] =	sst s2  }
0x8f: {  	_ = 	snop  }
0x90: {  	s2 =	sld [smem:$0x3FD0];
	_ =	sdelay $0x2  }
0x91: {  	s15 =	simm.s32 $0xA;
	s4 =	simm.s32 $0x10  }
0x92: {  	[smem:s4], [sflag:s15] =	dma.local [hbm:s2], $0x1  }
0x93: {  	_ =	swait.eq [sflag:s15], $0x1  }
0x94: {  	[sflag:s15] =	ssyncset.done $0x0  }
0x95: {  	s16 =	sld [smem:$0x10];
	[sflag:s15] =	ssyncadd.s32 $0xFFFFFFFF  }
0x96: {  	s17 =	sld [smem:$0x11];
	(tm) =	ssettm $0x1  }
0x97: {  	s18 =	sld [smem:$0x3FFB];
	_ =	sdelay $0x3  }
0x98: {  	_ =	strace s18  }
0x99: {  	s4 =	sld [smem:$0x3FFC];
	_ =	sdelay $0x3  }
0x9a: {  	_ =	strace s4  }
0x9b: {  	s4 =	sld [smem:$0x3FFD];
	_ =	sdelay $0x3  }
0x9c: {  	_ =	strace s4  }
0x9d: {  	_ =	strace $0x8FFFFFFF  }
0x9e: {  	s19 =	sld [smem:$0x3FDB];
	_ =	sdelay $0x1  }
0x9f: {  	s5 =	simm.s32 $_scs_section_size  }
0xa0: {  	s6 =	simm.s32 $_size__tile_overlayer_lowered;
	s7 =	simm.s32 $_tile_overlayer_lowered  }
0xa1: {  	s22 =	simm.s32 $0x1BFF;
	s21 =	sshll.u32 s7, $0x1;
	s4 =	sadd.s32 s5, s19  }
0xa2: {  	s8 =	simm.s32 $0x0;
	s20 =	sshll.u32 s6, $0x1;
	s6 =	sadd.s32 s21, s4  }
0xa3: {  	[timem:s8], [sflag:s22] =	dma.local [hbm:s6], s20  }
0xa4: {  	_ =	swait.ge [sflag:s22], s20  }
0xa5: {  	s5 =	ssub.s32 $0x0, s20;
	[sflag:s22] =	ssyncset.done $0x0  }
0xa6: {  	[sflag:s22] =	ssyncadd.s32 s5;
	_ =	sdelay $0x1  }
0xa7: {  	s23 =	simm.s32 $0x1B8B  }
0xa8: {  	_ =	swait.ge [sflag:s23], $0x1  }
0xa9: {  	[sflag:s23] =	ssyncset.done $0x0  }
0xaa: {  	s25 =	simm.s32 $0x1B8E;
	s24 =	sld [smem:$0x3FFE];
	[sflag:s23] =	ssyncadd.s32 $0xFFFFFFFF  }
0xab: {  	s26 =	simm.s32 $execute0_lowered;
	[smem:$0x3FD2] =	sst s25  }
0xac: {  	s6 =	sshll.u32 s26, $0x1;
	_ =	strace $0x80000046;
	[dreg:$0x1] =	wrdreg $0xFFFFFFFF  }
0xad: {  	s28 =	simm.s32 $_size_execute0_lowered;
	s4 =	sadd.s32 s4, s6;
	[dreg:$0x0] =	wrdreg $0x0  }
0xae: {  	s6 =	sshll.u32 s28, $0x1;
	[dreg:$0x2] =	wrdreg s4  }
0xaf: {  	[dreg:$0x3] =	wrdreg s6  }
0xb0: {  	[dreg:$0x4] =	wrdreg $0xC0  }
0xb1: {  	_ =	task [dreg:s8], $0x5FFFF  }
0xb2: {  	[dreg:$0x1] =	wrdreg $0xFFFFFFFF  }
0xb3: {  	[dreg:$0x0] =	wrdreg $0x60  }
0xb4: {  	[dreg:$0x2] =	wrdreg s24  }
0xb5: {  	[dreg:$0x3] =	wrdreg s17  }
0xb6: {  	[dreg:$0x4] =	wrdreg s16  }
0xb7: {  	[dreg:$0x5] =	wrdreg $0x9  }
0xb8: {  	_ =	task.clear_ibuf [dreg:s8], $0x6FFFF;
	_ =	strace $0x90000046  }
0xb9: {  	s29 =	simm.s32 $0x9;
	_ =	strace $0x80000048  }
0xba: {  	_ =	swait.ge [sflag:s29], $0x1  }
0xbb: {  	[sflag:s29] =	ssyncadd.s32 $0xFFFFFFFF  }
0xbc: {  	_ =	strace $0x90000048  }
0xbd: {  	_ =	sfence  }
0xbe: {  	s30 =	sld [smem:$0x0];
	_ =	sdelay $0x2  }
0xbf: {  	s31 =	sshll.u32 s1, $0xD;
	s1 =	sshrl.u32 s1, $0x2  }
0xc0: {  	s3 =	sand.u32 $0x4000, s31;
	s1 =	sadd.s32 s1, s30  }
0xc1: {  	s0 =	sor.u32 s3, s0;
	s1 =	sshll.u32 s1, $0x11  }
0xc2: {  	s0 =	sor.u32 s1, s0  }
0xc3: {  	s0 =	sadd.s32 $0x8F2B, s0  }
0xc4: {  	[sflag:s0] =	ssyncadd.remote.s32 $0x1  }
0xc5: {  	_ =	sfence.sel $0xFFFF  }
0xc6: {  	[dreg:$0x0] =	wrdreg $0xFFFFFFFF;
	(pc) =	sbr.abs _section_cstart, $3  }
0xc7: {  	[dreg:$0x1] =	wrdreg $0xFFFFFFFF  }
0xc8: {  	_ =	task.clear_ibuf [dreg:s8], $0x2FFFF;
	_ =	strace $0x9FFFFFFF  }
0xc9: {  	(tm) =	ssettm $0x7FFFFFFF  }
tec
execute0_lowered:
.L_overlay_start_1:
0x0: {  	(tag) =	ssettag $0x1  }
0x1: {  	s0 =	rddreg [dreg:$0x0]  }
0x2: {  	s1 =	rddreg [dreg:$0x1]  }
0x3: {  	s3 =	rddreg [dreg:$0x2]  }
0x4: {  	s2 =	simm.s32 $0x0;
	s14 =	stileid.u32;
	s25 =	srdreg.scid  }
0x5: {  	[smem:$0x7FF] =	sst s2;
	s4 =	sadd.s32 $0x5000, s0;
	s20 =	sadd.s32 $0x4200, s0  }
0x6: {  	s21 =	sadd.s32 $0x4000, s0;
	s6 =	sshll.u32 s14, $0x4;
	s5 =	sadd.s32 $0x4400, s0  }
0x7: {  	s23 =	smul.u32 $0xCC, s14;
	_ =	strace $0x80000047;
	[dreg:$0x4] =	wrdreg s4  }
0x8: {  	s7 =	sadd.s32 $0x3E00, s0;
	s24 =	sadd.s32 $0x3C00, s0;
	[dreg:$0x5] =	wrdreg s20  }
0x9: {  	s8 =	sadd.s32 $0x3A00, s0;
	s17 =	sand.u32 $0x1, s25;
	[dreg:$0x6] =	wrdreg s21  }
0xa: {  	s28 =	smul.u32 $0x30, s14;
	s10 =	sshll.u32 s14, $0x10;
	[dreg:$0x7] =	wrdreg s5  }
0xb: {  	s11 =	sadd.s32 $0x5600, s0;
	s18 =	smul.u32 $0x264, s14;
	[dreg:$0x8] =	wrdreg s7  }
0xc: {  	s14 =	simm.s32 $0xA100;
	s22 =	sadd.s32 s6, s0;
	[dreg:$0x9] =	wrdreg s24  }
0xd: {  	[dreg:$0xa] =	wrdreg s8;
	s9 =	sshll.u32 s17, $0x14;
	s13 =	ssub.s32 $0x2, s17  }
0xe: {  	s8 =	simm.s32 $0x4;
	v1 =	vmov s17;
	s17 =	simm.s32 $0x1;
	s26 =	sadd.s32 s23, s0  }
0xf: {  	s9 =	sor.u32 s10, s9;
	s0 =	sadd.s32 s28, s0;
	s1 =	sadd.s32 s1, s23  }
0x10: {  	s10 =	sshrl.u32 s13, $0x1;
	s19 =	sadd.s32 $0x1A00, s22;
	[dreg:$0xf] =	wrdreg s1  }
0x11: {  	s20 =	sadd.s32 $0x3800, s22;
	s21 =	sadd.s32 s3, s18;
	[dreg:$0x10] =	wrdreg s19  }
0x12: {  	s18 =	simm.s32 $0x18A80;
	s12 =	sadd.s32 s11, s9;
	[dreg:$0x11] =	wrdreg s20  }
0x13: {  	s7 =	ssub.s32 s13, s10;
	[dreg:$0x12] =	wrdreg s21;
	s22 =	sadd.s32 $0x1C00, s26  }
0x14: {  	s23 =	sadd.s32 $0x2A00, s26;
	s0 =	sadd.s32 $0x205600, s0;
	s10 =	simm.s32 $0x3800  }
0x15: {  	s19 =	simm.s32 $0x2;
	s20 =	simm.s32 $0x3;
	[dreg:$0x13] =	wrdreg s22  }
0x16: {  	s21 =	simm.s32 $0x0;
	s9 =	sadd.s32 $0x1000, s12;
	[dreg:$0x14] =	wrdreg s23  }
0x17: {  	s13 =	sadd.s32 $0x2000, s12;
	s15 =	sadd.s32 $0x3000, s12;
	[dreg:$0x15] =	wrdreg s0  }
0x18: {  	s16 =	sadd.s32 $0x4000, s12;
	s24 =	smax.u32 s7, $0x1;
	[dreg:$0xb] =	wrdreg s9  }
0x19: {  	s25 =	sadd.s32 $0x5000, s12;
	s26 =	sadd.s32 $0x6000, s12;
	[dreg:$0xc] =	wrdreg s13  }
0x1a: {  	s28 =	sadd.s32 $0x7000, s12;
	s29 =	sadd.s32 $0x8000, s12;
	[dreg:$0xd] =	wrdreg s15  }
0x1b: {  	s30 =	sadd.s32 $0x9000, s12;
	s31 =	sadd.s32 $0xA000, s12;
	[dreg:$0xe] =	wrdreg s16  }
.Ltmp0:
0x1c: {  	s0 =	sadd.s32 $0xB000, s12;
	[dreg:$0x16] =	wrdreg s24;
	(pc) =	sbr.rel .LBB2_1-.Ltmp0, $4  }
0x1d: {  	v0 =	vlaneseq.u32;
	s1 =	sadd.s32 $0xC000, s12;
	s3 =	sadd.s32 $0xD000, s12;
	[dreg:$0x17] =	wrdreg s25  }
0x1e: {  	v0 =	vmul.u32 $0x3, v0;
	s4 =	sadd.s32 $0xE000, s12;
	s5 =	sadd.s32 $0xF000, s12;
	[dreg:$0x18] =	wrdreg s26  }
0x1f: {  	v2 =	vimm.f32 $0.0e+00;
	v3 =	vimm.f32 $1.000000000e+00;
	s7 =	simm.s32 $0x10A80;
	[dreg:$0x19] =	wrdreg s28;
	s9 =	simm.s32 $0x3000  }
0x20: {  	vm0 =	vmmov $0xffff;
	v4 =	vadd.s32 $0x1, v0;
	v5 =	vadd.s32 $0x2, v0;
	s13 =	simm.s32 $0x4100;
	s15 =	simm.s32 $0xB100;
	s16 =	simm.s32 $0xC100  }
.LBB2_18:
0x21: {  	[sflag:s19] =	ssyncadd.s32 $0xFFFFFFF0  }
.LBB2_19:
0x22: {  	_ =	swait.ge [sflag:s20], $0x180  }
0x23: {  	[sflag:s20] =	ssyncset.done $0x0  }
0x24: {  	[sflag:s20] =	ssyncadd.s32 $0xFFFFFE80  }
0x25: {  	_ =	swait.ge [sflag:s20], $0x1320  }
0x26: {  	s21 =	sadd.s32 $0x1, s21;
	s22 =	rddreg [dreg:$0x16]  }
0x27: {  	p0 =	sne.s32 s21, s22  }
.Ltmp1:
0x28: {  	_ = 	snop;
	(pc) =	sbr.rel @!p0 .LBB2_20-.Ltmp1, $3  }
0x29: {  	_ =	sdelay $0x1  }
0x2a: {  	[sflag:s20] =	ssyncset.done $0x0  }
0x2b: {  	[sflag:s20] =	ssyncadd.s32 $0xFFFFECE0  }
.LBB2_1:
0x2c: {  	s22 =	simm.s32 $0x40;
	s23 =	simm.s32 $0x0  }
.LBB2_2:
0x2d: {  	p0 =	sne.s32 s22, $0x1FFC0;
	[tilespmem:s23+$0x10A80] =	vst v2;
	s23 =	smov.u32 s22;
	s22 =	sadd.s32 $0x40, s22  }
.Ltmp2:
0x2e: {  	(pc) =	sbr.rel @p0 .LBB2_2-.Ltmp2, $2  }
0x2f: {  	_ =	sdelay $0x2  }
0x30: {  	s23 =	sshra.s32 s23, $0x2  }
0x31: {  	[tilespmem:s23+$0x10A80] =	vst v2  }
0x32: {  	s22 =	simm.s32 $0x0;
	[tilespmem:$0x18A80] =	vst v3  }
0x33: {  	[hbm4b:s12+s22] =	stream.linear.scatter [tilespmem:s7], [sflag:$0x1], $0x8000, $0x38;
	[tilespmem:$0x18B00] =	vst v63  }
0x34: {  	s25 =	rddreg [dreg:$0xb]  }
0x35: {  	[hbm4b:s25+s22] =	stream.linear.scatter [tilespmem:s7], [sflag:$0x1], $0x8000, $0x38;
	[tilespmem:$0x18B00] =	vst v63  }
0x36: {  	s26 =	rddreg [dreg:$0xc]  }
0x37: {  	[hbm4b:s26+s22] =	stream.linear.scatter [tilespmem:s7], [sflag:$0x1], $0x8000, $0x38;
	[tilespmem:$0x18B00] =	vst v63  }
0x38: {  	s28 =	rddreg [dreg:$0xd]  }
0x39: {  	[hbm4b:s28+s22] =	stream.linear.scatter [tilespmem:s7], [sflag:$0x1], $0x8000, $0x38;
	[tilespmem:$0x18B00] =	vst v63  }
0x3a: {  	s24 =	rddreg [dreg:$0xe]  }
0x3b: {  	[hbm4b:s24+s22] =	stream.linear.scatter [tilespmem:s7], [sflag:$0x1], $0x8000, $0x38;
	[tilespmem:$0x18B00] =	vst v63  }
0x3c: {  	s25 =	rddreg [dreg:$0x17]  }
0x3d: {  	[hbm4b:s25+s22] =	stream.linear.scatter [tilespmem:s7], [sflag:$0x1], $0x8000, $0x38;
	[tilespmem:$0x18B00] =	vst v63  }
0x3e: {  	s26 =	rddreg [dreg:$0x18]  }
0x3f: {  	[hbm4b:s26+s22] =	stream.linear.scatter [tilespmem:s7], [sflag:$0x1], $0x8000, $0x38;
	[tilespmem:$0x18B00] =	vst v63  }
0x40: {  	s28 =	rddreg [dreg:$0x19]  }
0x41: {  	[hbm4b:s28+s22] =	stream.linear.scatter [tilespmem:s7], [sflag:$0x1], $0x8000, $0x38;
	[tilespmem:$0x18B00] =	vst v63  }
0x42: {  	_ = 	snop  }
0x43: {  	[hbm4b:s29+s22] =	stream.linear.scatter [tilespmem:s7], [sflag:$0x1], $0x8000, $0x38;
	[tilespmem:$0x18B00] =	vst v63  }
0x44: {  	_ = 	snop  }
0x45: {  	[hbm4b:s30+s22] =	stream.linear.scatter [tilespmem:s7], [sflag:$0x1], $0x8000, $0x38;
	[tilespmem:$0x18B00] =	vst v63  }
0x46: {  	_ = 	snop  }
0x47: {  	[hbm4b:s31+s22] =	stream.linear.scatter [tilespmem:s7], [sflag:$0x1], $0x8000, $0x38;
	[tilespmem:$0x18B00] =	vst v63  }
0x48: {  	_ = 	snop  }
0x49: {  	[hbm4b:s0+s22] =	stream.linear.scatter [tilespmem:s7], [sflag:$0x1], $0x8000, $0x38;
	[tilespmem:$0x18B00] =	vst v63  }
0x4a: {  	_ = 	snop  }
0x4b: {  	[hbm4b:s1+s22] =	stream.linear.scatter [tilespmem:s7], [sflag:$0x1], $0x8000, $0x38;
	[tilespmem:$0x18B00] =	vst v63  }
0x4c: {  	_ = 	snop  }
0x4d: {  	[hbm4b:s3+s22] =	stream.linear.scatter [tilespmem:s7], [sflag:$0x1], $0x8000, $0x38;
	[tilespmem:$0x18B00] =	vst v63  }
0x4e: {  	_ = 	snop  }
0x4f: {  	[hbm4b:s4+s22] =	stream.linear.scatter [tilespmem:s7], [sflag:$0x1], $0x8000, $0x38;
	[tilespmem:$0x18B00] =	vst v63  }
0x50: {  	_ = 	snop  }
0x51: {  	[hbm4b:s5+s22] =	stream.linear.scatter [tilespmem:s7], [sflag:$0x1], $0x8000, $0x38;
	[tilespmem:$0x18B00] =	vst v63  }
0x52: {  	s24 =	rddreg [dreg:$0x4]  }
0x53: {  	[tilespmem:s22], [sflag:$0x4] =	stream.linear.gather [hbm4b:s24+s22], $0x3000, $0x38;
	[tilespmem:$0x18B00] =	vst v63  }
0x54: {  	_ =	swait.ge [sflag:s8], $0x3000  }
0x55: {  	[sflag:s8] =	ssyncset.done $0x0  }
0x56: {  	s25 =	rddreg [dreg:$0x5];
	[sflag:s8] =	ssyncadd.s32 $0xFFFFD000  }
0x57: {  	[tilespmem:s9], [sflag:$0x4] =	stream.linear.gather [hbm4b:s25+s22], $0x800, $0x38;
	[tilespmem:$0x18B00] =	vst v63  }
0x58: {  	_ =	swait.ge [sflag:s8], $0x800  }
0x59: {  	[sflag:s8] =	ssyncset.done $0x0  }
0x5a: {  	s26 =	rddreg [dreg:$0x6];
	[sflag:s8] =	ssyncadd.s32 $0xFFFFF800  }
0x5b: {  	[tilespmem:s10], [sflag:$0x4] =	stream.linear.gather [hbm4b:s26+s22], $0x800, $0x38;
	[tilespmem:$0x18B00] =	vst v63  }
0x5c: {  	_ =	swait.ge [sflag:s8], $0x800  }
0x5d: {  	[sflag:s8] =	ssyncset.done $0x0  }
0x5e: {  	s28 =	rddreg [dreg:$0x7];
	[sflag:s8] =	ssyncadd.s32 $0xFFFFF800  }
0x5f: {  	[tilespmem:s13], [sflag:$0x4] =	stream.linear.gather [hbm4b:s28+s22], $0x6000, $0x38;
	[tilespmem:$0x18B00] =	vst v63  }
0x60: {  	_ =	swait.ge [sflag:s8], $0x6000  }
0x61: {  	[sflag:s8] =	ssyncset.done $0x0  }
0x62: {  	s24 =	rddreg [dreg:$0x8];
	[sflag:s8] =	ssyncadd.s32 $0xFFFFA000  }
0x63: {  	[tilespmem:s14], [sflag:$0x4] =	stream.linear.gather [hbm4b:s24+s22], $0x1000, $0x38;
	[tilespmem:$0x18B00] =	vst v63  }
0x64: {  	_ =	swait.ge [sflag:s8], $0x1000  }
0x65: {  	[sflag:s8] =	ssyncset.done $0x0  }
0x66: {  	s25 =	rddreg [dreg:$0x9];
	[sflag:s8] =	ssyncadd.s32 $0xFFFFF000  }
0x67: {  	[tilespmem:s15], [sflag:$0x4] =	stream.linear.gather [hbm4b:s25+s22], $0x1000, $0x38;
	[tilespmem:$0x18B00] =	vst v63  }
0x68: {  	_ =	swait.ge [sflag:s8], $0x1000  }
0x69: {  	[sflag:s8] =	ssyncset.done $0x0  }
0x6a: {  	s26 =	rddreg [dreg:$0xa];
	[sflag:s8] =	ssyncadd.s32 $0xFFFFF000  }
0x6b: {  	[tilespmem:s16], [sflag:$0x4] =	stream.linear.gather [hbm4b:s26+s22], $0x1000, $0x38;
	[tilespmem:$0x18B00] =	vst v63  }
0x6c: {  	_ =	swait.ge [sflag:s8], $0x1000  }
0x6d: {  	[sflag:s8] =	ssyncset.done $0x0  }
0x6e: {  	s24 =	simm.s32 $0x4000;
	s28 =	rddreg [dreg:$0x10];
	[sflag:s8] =	ssyncadd.s32 $0xFFFFF000  }
0x6f: {  	[tilespmem:s24], [sflag:$0x4] =	stream.linear.gather [hbm4b:s28+s22], $0x80, $0x38;
	[tilespmem:$0x18B00] =	vst v63  }
0x70: {  	_ =	swait.ge [sflag:s8], $0x80  }
0x71: {  	[sflag:s8] =	ssyncset.done $0x0  }
0x72: {  	s25 =	simm.s32 $0x4080;
	s24 =	rddreg [dreg:$0x11];
	[sflag:s8] =	ssyncadd.s32 $0xFFFFFF80  }
0x73: {  	[tilespmem:s25], [sflag:$0x4] =	stream.linear.gather [hbm4b:s24+s22], $0x80, $0x38;
	[tilespmem:$0x18B00] =	vst v63  }
0x74: {  	_ =	swait.ge [sflag:s8], $0x80  }
0x75: {  	[sflag:s8] =	ssyncset.done $0x0  }
0x76: {  	s28 =	simm.s32 $0xD100;
	s26 =	rddreg [dreg:$0xf];
	[sflag:s8] =	ssyncadd.s32 $0xFFFFFF80  }
0x77: {  	[tilespmem:s28], [sflag:$0x4] =	stream.linear.gather [hbm4b:s26+s22], $0x660, $0x38;
	[tilespmem:$0x18B00] =	vst v63  }
0x78: {  	_ =	swait.ge [sflag:s8], $0x660  }
0x79: {  	[sflag:s8] =	ssyncset.done $0x0  }
0x7a: {  	s25 =	simm.s32 $0xD780;
	s24 =	rddreg [dreg:$0x13];
	[sflag:s8] =	ssyncadd.s32 $0xFFFFF9A0  }
0x7b: {  	[tilespmem:s25], [sflag:$0x4] =	stream.linear.gather [hbm4b:s24+s22], $0x660, $0x38;
	[tilespmem:$0x18B00] =	vst v63  }
0x7c: {  	_ =	swait.ge [sflag:s8], $0x660  }
0x7d: {  	[sflag:s8] =	ssyncset.done $0x0  }
0x7e: {  	s28 =	simm.s32 $0xDE00;
	s26 =	rddreg [dreg:$0x14];
	[sflag:s8] =	ssyncadd.s32 $0xFFFFF9A0  }
0x7f: {  	[tilespmem:s28], [sflag:$0x4] =	stream.linear.gather [hbm4b:s26+s22], $0x660, $0x38;
	[tilespmem:$0x18B00] =	vst v63  }
0x80: {  	_ =	swait.ge [sflag:s8], $0x660  }
0x81: {  	[sflag:s8] =	ssyncset.done $0x0  }
0x82: {  	s22 =	simm.s32 $0x0;
	[sflag:s8] =	ssyncadd.s32 $0xFFFFF9A0  }
0x83: {  	v6 =	vld [tilespmem:s22+$0x4000];
	_ =	sdelay $0x7  }
0x84: {  	v7 =	vld.idx.msk [tilespmem:v6+s9+$0x0], $0xffff  }
0x85: {  	v6 =	vld.idx.msk [tilespmem:v6+s10+$0x0], $0xffff;
	_ =	sdelay $0x3  }
0x86: {  	v7 =	vmul.u32 $0x3, v7  }
0x87: {  	v6 =	vmul.u32 $0x3, v6;
	_ =	sdelay $0x4  }
0x88: {  	v8 =	vld.idx.msk [tilespmem:v7+s2+$0x0], $0xffff  }
0x89: {  	v9 =	vld.idx.msk [tilespmem:v6+s2+$0x0], $0xffff;
	_ =	sdelay $0x1  }
0x8a: {  	v10 =	vld [tilespmem:s22+$0x4080];
	_ =	sdelay $0x2  }
0x8b: {  	v9 =	vsub.f32 v9, v8;
	_ =	sdelay $0x1  }
0x8c: {  	v11 =	vadd.s32 $0x1, v7;
	v9 =	vmul.f32 v9, v10  }
0x8d: {  	v12 =	vadd.s32 $0x1, v6  }
0x8e: {  	v8 =	vadd.f32 v9, v8;
	_ =	sdelay $0x1  }
0x8f: {  	[tilespmem:s22+$0xEB80] =	vst v8  }
0x90: {  	v9 =	vld.idx.msk [tilespmem:v11+s2+$0x0], $0xffff  }
0x91: {  	v11 =	vld.idx.msk [tilespmem:v12+s2+$0x0], $0xffff;
	_ =	sdelay $0x4  }
0x92: {  	v11 =	vsub.f32 v11, v9;
	_ =	sdelay $0x1  }
0x93: {  	v7 =	vadd.s32 $0x2, v7;
	v11 =	vmul.f32 v11, v10  }
0x94: {  	v6 =	vadd.s32 $0x2, v6  }
0x95: {  	v9 =	vadd.f32 v11, v9;
	_ =	sdelay $0x1  }
0x96: {  	[tilespmem:s22+$0xEC00] =	vst v9  }
0x97: {  	v7 =	vld.idx.msk [tilespmem:v7+s2+$0x0], $0xffff  }
0x98: {  	v6 =	vld.idx.msk [tilespmem:v6+s2+$0x0], $0xffff;
	_ =	sdelay $0x4  }
0x99: {  	v6 =	vsub.f32 v6, v7  }
0x9a: {  	v8 =	vmul.f32 $2.560000000e+02, v8  }
0x9b: {  	v9 =	vmul.f32 $2.560000000e+02, v9;
	v6 =	vmul.f32 v6, v10  }
0x9c: {  	v8 =	vadd.f32 $1.285000000e+02, v8  }
0x9d: {  	v9 =	vadd.f32 $1.285000000e+02, v9;
	v6 =	vadd.f32 v6, v7;
	_ =	sdelay $0x1  }
0x9e: {  	v7 =	vmax.f32 v8, $0.0e+00;
	v8 =	vmax.f32 v9, $0.0e+00;
	v9 =	vmul.f32 $2.560000000e+02, v6  }
0x9f: {  	v7 =	vmin.f32 v7, $2.550000000e+02;
	v8 =	vmin.f32 v8, $2.550000000e+02  }
0xa0: {  	s25 =	simm.s32 $0x10;
	v7 =	vtrunc.f32 v7;
	v8 =	vtrunc.f32 v8;
	[tilespmem:s22+$0xEC80] =	vst v6;
	v9 =	vadd.f32 $1.285000000e+02, v9  }
0xa1: {  	v7 =	vcvt.f32.s32 v7;
	v8 =	vcvt.f32.s32 v8;
	v6 =	vld [tilespmem:s25+$0x4000]  }
0xa2: {  	v9 =	vmax.f32 v9, $0.0e+00  }
0xa3: {  	v8 =	vshll.u32 v8, $0x8;
	v7 =	vshll.u32 v7, $0x10;
	v9 =	vmin.f32 v9, $2.550000000e+02  }
0xa4: {  	s23 =	simm.s32 $0x80;
	v7 =	vadd.s32 v7, v8;
	v8 =	vtrunc.f32 v9  }
.LBB2_4:
0xa5: {  	p0 =	sne.s32 s23, $0x1C0;
	v8 =	vcvt.f32.s32 v8;
	s24 =	smov.u32 s23;
	s23 =	sadd.s32 $0x40, s23  }
0xa6: {  	_ = 	snop  }
0xa7: {  	v7 =	vadd.s32 v8, v7  }
0xa8: {  	[tilespmem:s22+$0xE480] =	vst v7;
	s22 =	smov.u32 s25  }
0xa9: {  	v7 =	vld.idx.msk [tilespmem:v6+s9+$0x0], $0xffff  }
0xaa: {  	v6 =	vld.idx.msk [tilespmem:v6+s10+$0x0], $0xffff;
	_ =	sdelay $0x4  }
0xab: {  	v7 =	vmul.u32 $0x3, v7  }
0xac: {  	v6 =	vmul.u32 $0x3, v6;
	_ =	sdelay $0x4  }
0xad: {  	v8 =	vld.idx.msk [tilespmem:v7+s2+$0x0], $0xffff  }
0xae: {  	v9 =	vld.idx.msk [tilespmem:v6+s2+$0x0], $0xffff;
	_ =	sdelay $0x1  }
0xaf: {  	v10 =	vld [tilespmem:s22+$0x4080];
	_ =	sdelay $0x3  }
0xb0: {  	v9 =	vsub.f32 v9, v8;
	_ =	sdelay $0x1  }
0xb1: {  	v11 =	vadd.s32 $0x1, v7;
	v12 =	vadd.s32 $0x1, v6;
	v9 =	vmul.f32 v9, v10;
	_ =	sdelay $0x1  }
0xb2: {  	v8 =	vadd.f32 v9, v8;
	_ =	sdelay $0x1  }
0xb3: {  	[tilespmem:s22+$0xEB80] =	vst v8;
	v8 =	vmul.f32 $2.560000000e+02, v8  }
0xb4: {  	v9 =	vld.idx.msk [tilespmem:v11+s2+$0x0], $0xffff  }
0xb5: {  	v11 =	vld.idx.msk [tilespmem:v12+s2+$0x0], $0xffff;
	v8 =	vadd.f32 $1.285000000e+02, v8;
	_ =	sdelay $0x1  }
0xb6: {  	v8 =	vmax.f32 v8, $0.0e+00  }
0xb7: {  	v8 =	vmin.f32 v8, $2.550000000e+02  }
0xb8: {  	v8 =	vtrunc.f32 v8  }
0xb9: {  	v8 =	vcvt.f32.s32 v8  }
0xba: {  	v11 =	vsub.f32 v11, v9;
	_ =	sdelay $0x1  }
0xbb: {  	v7 =	vadd.s32 $0x2, v7;
	v6 =	vadd.s32 $0x2, v6;
	v11 =	vmul.f32 v11, v10;
	_ =	sdelay $0x1  }
0xbc: {  	v9 =	vadd.f32 v11, v9;
	_ =	sdelay $0x1  }
0xbd: {  	[tilespmem:s22+$0xEC00] =	vst v9;
	v9 =	vmul.f32 $2.560000000e+02, v9  }
0xbe: {  	v7 =	vld.idx.msk [tilespmem:v7+s2+$0x0], $0xffff  }
0xbf: {  	v6 =	vld.idx.msk [tilespmem:v6+s2+$0x0], $0xffff;
	v9 =	vadd.f32 $1.285000000e+02, v9;
	_ =	sdelay $0x1  }
0xc0: {  	v9 =	vmax.f32 v9, $0.0e+00  }
0xc1: {  	v9 =	vmin.f32 v9, $2.550000000e+02  }
0xc2: {  	v9 =	vtrunc.f32 v9  }
0xc3: {  	v9 =	vcvt.f32.s32 v9  }
0xc4: {  	v6 =	vsub.f32 v6, v7  }
0xc5: {  	v9 =	vshll.u32 v9, $0x8  }
0xc6: {  	v6 =	vmul.f32 v6, v10;
	_ =	sdelay $0x1  }
0xc7: {  	v6 =	vadd.f32 v6, v7;
	_ =	sdelay $0x1  }
0xc8: {  	[tilespmem:s22+$0xEC80] =	vst v6;
	v6 =	vmul.f32 $2.560000000e+02, v6;
	_ =	sdelay $0x1  }
.Ltmp3:
0xc9: {  	s25 =	sshra.s32 s24, $0x2;
	v7 =	vadd.f32 $1.285000000e+02, v6;
	(pc) =	sbr.rel @p0 .LBB2_4-.Ltmp3, $4  }
0xca: {  	v6 =	vld [tilespmem:s25+$0x4000]  }
0xcb: {  	v8 =	vshll.u32 v8, $0x10;
	v7 =	vmax.f32 v7, $0.0e+00  }
0xcc: {  	v10 =	vmin.f32 v7, $2.550000000e+02;
	v7 =	vadd.s32 v8, v9  }
0xcd: {  	v8 =	vtrunc.f32 v10  }
0xce: {  	_ = 	snop  }
0xcf: {  	v8 =	vcvt.f32.s32 v8;
	_ =	sdelay $0x1  }
0xd0: {  	v7 =	vadd.s32 v8, v7  }
0xd1: {  	[tilespmem:s22+$0xE480] =	vst v7  }
0xd2: {  	v7 =	vld.idx.msk [tilespmem:v6+s9+$0x0], $0xffff  }
0xd3: {  	v6 =	vld.idx.msk [tilespmem:v6+s10+$0x0], $0xffff;
	_ =	sdelay $0x3  }
0xd4: {  	v7 =	vmul.u32 $0x3, v7  }
0xd5: {  	v6 =	vmul.u32 $0x3, v6;
	_ =	sdelay $0x4  }
0xd6: {  	v59 =	vld.idx.msk [tilespmem:v7+s2+$0x0], $0xffff  }
0xd7: {  	v9 =	vld.idx.msk [tilespmem:v6+s2+$0x0], $0xffff;
	_ =	sdelay $0x1  }
0xd8: {  	v10 =	vld [tilespmem:s25+$0x4080];
	_ =	sdelay $0x2  }
0xd9: {  	v9 =	vsub.f32 v9, v59;
	_ =	sdelay $0x1  }
0xda: {  	v11 =	vadd.s32 $0x1, v7;
	v9 =	vmul.f32 v9, v10  }
0xdb: {  	v12 =	vadd.s32 $0x1, v6  }
0xdc: {  	v8 =	vadd.f32 v9, v59;
	_ =	sdelay $0x1  }
0xdd: {  	[tilespmem:s25+$0xEB80] =	vst v8  }
0xde: {  	v60 =	vld.idx.msk [tilespmem:v11+s2+$0x0], $0xffff  }
0xdf: {  	v61 =	vld.idx.msk [tilespmem:v12+s2+$0x0], $0xffff;
	_ =	sdelay $0x4  }
0xe0: {  	v11 =	vsub.f32 v61, v60;
	_ =	sdelay $0x1  }
0xe1: {  	v7 =	vadd.s32 $0x2, v7;
	v11 =	vmul.f32 v11, v10  }
0xe2: {  	v6 =	vadd.s32 $0x2, v6  }
0xe3: {  	v9 =	vadd.f32 v11, v60;
	_ =	sdelay $0x1  }
0xe4: {  	[tilespmem:s25+$0xEC00] =	vst v9  }
0xe5: {  	v7 =	vld.idx.msk [tilespmem:v7+s2+$0x0], $0xffff  }
0xe6: {  	v6 =	vld.idx.msk [tilespmem:v6+s2+$0x0], $0xffff;
	_ =	sdelay $0x4  }
0xe7: {  	v6 =	vsub.f32 v6, v7;
	_ =	sdelay $0x1  }
0xe8: {  	v6 =	vmul.f32 v6, v10;
	_ =	sdelay $0x1  }
0xe9: {  	v8 =	vmul.f32 $2.560000000e+02, v8;
	v9 =	vmul.f32 $2.560000000e+02, v9;
	v6 =	vadd.f32 v6, v7;
	_ =	sdelay $0x1  }
0xea: {  	v62 =	vadd.f32 $1.285000000e+02, v9;
	v7 =	vadd.f32 $1.285000000e+02, v8;
	v63 =	vmul.f32 $2.560000000e+02, v6;
	_ =	sdelay $0x1  }
0xeb: {  	v8 =	vmax.f32 v62, $0.0e+00;
	v7 =	vmax.f32 v7, $0.0e+00;
	v9 =	vadd.f32 $1.285000000e+02, v63  }
0xec: {  	v8 =	vmin.f32 v8, $2.550000000e+02;
	v7 =	vmin.f32 v7, $2.550000000e+02  }
0xed: {  	v8 =	vtrunc.f32 v8;
	v7 =	vtrunc.f32 v7;
	v9 =	vmax.f32 v9, $0.0e+00  }
0xee: {  	v8 =	vcvt.f32.s32 v8;
	v7 =	vcvt.f32.s32 v7;
	v9 =	vmin.f32 v9, $2.550000000e+02  }
0xef: {  	v9 =	vtrunc.f32 v9  }
0xf0: {  	v8 =	vshll.u32 v8, $0x8;
	v7 =	vshll.u32 v7, $0x10;
	v9 =	vcvt.f32.s32 v9  }
0xf1: {  	v7 =	vadd.s32 v7, v8  }
0xf2: {  	s23 =	rddreg [dreg:$0x15];
	[tilespmem:s25+$0xEC80] =	vst v6;
	v6 =	vadd.s32 v9, v7  }
0xf3: {  	s24 =	simm.s32 $0xEB80;
	s26 =	simm.s32 $0xF360;
	s22 =	simm.s32 $0x0;
	[tilespmem:s25+$0xE480] =	vst v6  }
0xf4: {  	[hbm4b:s23+s22] =	stream.linear.scatter [tilespmem:s24], [sflag:$0x3], $0x180, $0x38;
	[tilespmem:$0x18B00] =	vst v63  }
0xf5: {  	s25 =	simm.s32 $0xDE00;
	s23 =	simm.s32 $0xD100;
	s24 =	simm.s32 $0xD780  }
.LBB2_6:
0xf6: {  	v6 =	vld [tilespmem:s23+$0x0];
	_ =	sdelay $0x7  }
0xf7: {  	v7 =	vld.idx.msk [tilespmem:v6+s14+$0x0], $0xffff  }
0xf8: {  	v8 =	vld.idx.msk [tilespmem:v6+s15+$0x0], $0xffff;
	_ =	sdelay $0x1  }
0xf9: {  	v6 =	vld.idx.msk [tilespmem:v6+s16+$0x0], $0xffff;
	_ =	sdelay $0x1  }
0xfa: {  	v7 =	vmul.u32 $0x3, v7  }
0xfb: {  	v8 =	vmul.u32 $0x3, v8;
	_ =	sdelay $0x1  }
0xfc: {  	v6 =	vmul.u32 $0x3, v6;
	_ =	sdelay $0x2  }
0xfd: {  	v9 =	vld.idx.msk [tilespmem:v7+s13+$0x0], $0xffff  }
0xfe: {  	v10 =	vld.idx.msk [tilespmem:v8+s13+$0x0], $0xffff  }
0xff: {  	v11 =	vld [tilespmem:s24+$0x0]  }
0x100: {  	v12 =	vld.idx.msk [tilespmem:v6+s13+$0x0], $0xffff;
	_ =	sdelay $0x1  }
0x101: {  	v13 =	vld [tilespmem:s25+$0x0]  }
0x102: {  	v10 =	vsub.f32 v10, v9;
	_ =	sdelay $0x1  }
0x103: {  	v12 =	vsub.f32 v12, v9;
	v10 =	vmul.f32 v10, v11;
	_ =	sdelay $0x1  }
0x104: {  	v60 =	vadd.s32 $0x1, v7;
	v59 =	vmul.f32 v12, v13;
	v9 =	vadd.f32 v10, v9  }
0x105: {  	v14 =	vadd.s32 $0x1, v8  }
0x106: {  	v9 =	vadd.f32 v59, v9  }
0x107: {  	v61 =	vadd.s32 $0x1, v6  }
0x108: {  	[tilespmem:s26+$0xFFFFF9A0] =	vst v9  }
0x109: {  	v12 =	vld.idx.msk [tilespmem:v60+s13+$0x0], $0xffff  }
0x10a: {  	v14 =	vld.idx.msk [tilespmem:v14+s13+$0x0], $0xffff;
	_ =	sdelay $0x1  }
0x10b: {  	v10 =	vld.idx.msk [tilespmem:v61+s13+$0x0], $0xffff;
	_ =	sdelay $0x2  }
0x10c: {  	v14 =	vsub.f32 v14, v12;
	_ =	sdelay $0x1  }
0x10d: {  	v10 =	vsub.f32 v10, v12;
	v14 =	vmul.f32 v14, v11;
	_ =	sdelay $0x1  }
0x10e: {  	v7 =	vadd.s32 $0x2, v7;
	v10 =	vmul.f32 v10, v13;
	v12 =	vadd.f32 v14, v12  }
0x10f: {  	v8 =	vadd.s32 $0x2, v8  }
0x110: {  	v10 =	vadd.f32 v10, v12  }
0x111: {  	v6 =	vadd.s32 $0x2, v6  }
0x112: {  	[tilespmem:s26+$0x0] =	vst v10  }
0x113: {  	v7 =	vld.idx.msk [tilespmem:v7+s13+$0x0], $0xffff  }
0x114: {  	v8 =	vld.idx.msk [tilespmem:v8+s13+$0x0], $0xffff;
	_ =	sdelay $0x1  }
0x115: {  	v6 =	vld.idx.msk [tilespmem:v6+s13+$0x0], $0xffff;
	_ =	sdelay $0x2  }
0x116: {  	v8 =	vsub.f32 v8, v7;
	_ =	sdelay $0x1  }
0x117: {  	v6 =	vsub.f32 v6, v7;
	v8 =	vmul.f32 v8, v11;
	_ =	sdelay $0x1  }
0x118: {  	v6 =	vmul.f32 v6, v13;
	v7 =	vadd.f32 v8, v7;
	_ =	sdelay $0x1  }
0x119: {  	v62 =	vmul.f32 $2.560000000e+02, v10;
	v6 =	vadd.f32 v6, v7;
	v7 =	vmul.f32 $2.560000000e+02, v9;
	_ =	sdelay $0x1  }
0x11a: {  	v8 =	vadd.f32 $1.285000000e+02, v62;
	v7 =	vadd.f32 $1.285000000e+02, v7;
	v63 =	vmul.f32 $2.560000000e+02, v6;
	_ =	sdelay $0x1  }
0x11b: {  	v8 =	vmax.f32 v8, $0.0e+00;
	v7 =	vmax.f32 v7, $0.0e+00;
	v9 =	vadd.f32 $1.285000000e+02, v63  }
0x11c: {  	v8 =	vmin.f32 v8, $2.550000000e+02;
	v7 =	vmin.f32 v7, $2.550000000e+02  }
0x11d: {  	v8 =	vtrunc.f32 v8;
	v7 =	vtrunc.f32 v7;
	v9 =	vmax.f32 v9, $0.0e+00  }
0x11e: {  	p0 =	sne.s32 s22, $0x650;
	v8 =	vcvt.f32.s32 v8;
	v7 =	vcvt.f32.s32 v7;
	v9 =	vmin.f32 v9, $2.550000000e+02  }
.Ltmp4:
0x11f: {  	v9 =	vtrunc.f32 v9;
	(pc) =	sbr.rel @p0 .LBB2_6-.Ltmp4, $4  }
0x120: {  	v8 =	vshll.u32 v8, $0x8;
	v9 =	vcvt.f32.s32 v9;
	v7 =	vshll.u32 v7, $0x10  }
0x121: {  	v7 =	vadd.s32 v7, v8  }
0x122: {  	s28 =	sand.u32 $0x7F0, s22;
	s23 =	sadd.s32 $0x10, s23;
	s24 =	sadd.s32 $0x10, s24;
	[tilespmem:s26+$0x660] =	vst v6;
	v6 =	vadd.s32 v9, v7  }
0x123: {  	s25 =	sadd.s32 $0x10, s25;
	s22 =	sadd.s32 $0x10, s22;
	s26 =	sadd.s32 $0x10, s26;
	[tilespmem:s28+$0xE500] =	vst v6  }
0x124: {  	s22 =	sadd.s32 $0x0, s6  }
0x125: {  	v6 =	vmov s22  }
0x126: {  	v6 =	vmul.u32 $0x3, v6;
	_ =	sdelay $0x1  }
0x127: {  	v7 =	vbroadcast v6, $0x0;
	_ =	sdelay $0x1  }
0x128: {  	v8 =	vadd.s32 v4, v7  }
0x129: {  	v6 =	vadd.s32 v0, v7;
	_ =	sdelay $0x1  }
0x12a: {  	s23 =	rddreg [dreg:$0x12];
	s24 =	simm.s32 $0xED00;
	s22 =	simm.s32 $0x0;
	v7 =	vadd.s32 v5, v7  }
0x12b: {  	[hbm4b:s23+s22] =	stream.linear.scatter [tilespmem:s24], [sflag:$0x3], $0x1320, $0x38;
	[tilespmem:$0x18B00] =	vst v63  }
0x12c: {  	v9 =	vld.idx.msk [tilespmem:v8+s22+$0x0], $0xffff  }
0x12d: {  	v10 =	vld.idx.msk [tilespmem:v6+s22+$0x0], $0xffff;
	_ =	sdelay $0x1  }
0x12e: {  	v11 =	vld.idx.msk [tilespmem:v7+s22+$0x0], $0xffff;
	_ =	sdelay $0x2  }
0x12f: {  	v10 =	vmul.f32 $2.560000000e+02, v10;
	v9 =	vmul.f32 $2.560000000e+02, v9;
	_ =	sdelay $0x1  }
0x130: {  	s26 =	sadd.s32 $0x100, s6;
	v11 =	vmul.f32 $2.560000000e+02, v11;
	v10 =	vadd.f32 $1.285000000e+02, v10;
	v9 =	vadd.f32 $1.285000000e+02, v9  }
0x131: {  	v12 =	vmov s26  }
0x132: {  	v11 =	vadd.f32 $1.285000000e+02, v11;
	v10 =	vmax.f32 v10, $0.0e+00;
	v9 =	vmax.f32 v9, $0.0e+00  }
0x133: {  	v12 =	vmul.u32 $0x3, v12;
	v10 =	vmin.f32 v10, $2.550000000e+02;
	v9 =	vmin.f32 v9, $2.550000000e+02  }
0x134: {  	v11 =	vmax.f32 v11, $0.0e+00;
	v10 =	vtrunc.f32 v10;
	v9 =	vtrunc.f32 v9  }
0x135: {  	v11 =	vmin.f32 v11, $2.550000000e+02;
	v10 =	vcvt.f32.s32 v10;
	v9 =	vcvt.f32.s32 v9  }
0x136: {  	v12 =	vbroadcast v12, $0x0;
	v11 =	vtrunc.f32 v11  }
0x137: {  	v11 =	vcvt.f32.s32 v11;
	v10 =	vshll.u32 v10, $0x10;
	v13 =	vshll.u32 v9, $0x8  }
0x138: {  	v13 =	vadd.s32 v10, v13  }
0x139: {  	v9 =	vadd.s32 v4, v12;
	v13 =	vadd.s32 v11, v13  }
0x13a: {  	v10 =	vadd.s32 v0, v12;
	v14 =	vshra.s32 v13, $0x17  }
0x13b: {  	vm1 =	veq.s32 v14, v1  }
0x13c: {  	v11 =	vadd.s32 v5, v12;
	v15 =	vmpcnt.ones.xlane vm1  }
0x13d: {  	[tilespmem:s22+$0x10080] =	vst.msk vm1, v13  }
0x13e: {  	v12 =	vld.idx.msk [tilespmem:v9+s22+$0x0], $0xffff;
	(v2sf) =	vpush v15, $0x0  }
0x13f: {  	v13 =	vld.idx.msk [tilespmem:v10+s22+$0x0], $0xffff;
	_ =	sdelay $0x1  }
0x140: {  	v14 =	vld.idx.msk [tilespmem:v11+s22+$0x0], $0xffff;
	_ =	sdelay $0x2  }
0x141: {  	v13 =	vmul.f32 $2.560000000e+02, v13;
	v12 =	vmul.f32 $2.560000000e+02, v12;
	_ =	sdelay $0x1  }
0x142: {  	s28 =	sadd.s32 $0x200, s6;
	v14 =	vmul.f32 $2.560000000e+02, v14;
	v13 =	vadd.f32 $1.285000000e+02, v13;
	v16 =	vadd.f32 $1.285000000e+02, v12  }
0x143: {  	v12 =	vmov s28  }
0x144: {  	v14 =	vadd.f32 $1.285000000e+02, v14;
	v15 =	vmax.f32 v13, $0.0e+00;
	v16 =	vmax.f32 v16, $0.0e+00  }
0x145: {  	s24 =	simm.s32 $0x300;
	s23 =	simm.s32 $0x0;
	v13 =	vmul.u32 $0x3, v12;
	v15 =	vmin.f32 v15, $2.550000000e+02;
	v16 =	vmin.f32 v16, $2.550000000e+02  }
.LBB2_8:
0x146: {  	p0 =	sne.s32 s24, $0xF00;
	v15 =	vtrunc.f32 v15;
	v16 =	vtrunc.f32 v16;
	v14 =	vmax.f32 v14, $0.0e+00  }
0x147: {  	v15 =	vcvt.f32.s32 v15;
	v16 =	vcvt.f32.s32 v16;
	v14 =	vmin.f32 v14, $2.550000000e+02  }
0x148: {  	v13 =	vbroadcast v13, $0x0;
	v14 =	vtrunc.f32 v14  }
0x149: {  	v14 =	vcvt.f32.s32 v14;
	v15 =	vshll.u32 v15, $0x10;
	v16 =	vshll.u32 v16, $0x8;
	s25 =	spop (v2sf)  }
0x14a: {  	v17 =	vadd.s32 v4, v13;
	v15 =	vadd.s32 v15, v16;
	s23 =	sadd.s32 s23, s25  }
0x14b: {  	v16 =	vadd.s32 v0, v13;
	v14 =	vadd.s32 v14, v15  }
0x14c: {  	v15 =	vshra.s32 v14, $0x17  }
0x14d: {  	v13 =	vadd.s32 v5, v13;
	vm1 =	veq.s32 v15, v1  }
0x14e: {  	v15 =	vmpcnt.ones.xlane vm1;
	[tilespmem:s23+$0x10080] =	vst.msk vm1, v14  }
0x14f: {  	v14 =	vld.idx.msk [tilespmem:v17+s22+$0x0], $0xffff  }
0x150: {  	v16 =	vld.idx.msk [tilespmem:v16+s22+$0x0], $0xffff;
	(v2sf) =	vpush v15, $0x0;
	_ =	sdelay $0x1  }
0x151: {  	v13 =	vld.idx.msk [tilespmem:v13+s22+$0x0], $0xffff;
	_ =	sdelay $0x3  }
0x152: {  	v14 =	vmul.f32 $2.560000000e+02, v14;
	v15 =	vmul.f32 $2.560000000e+02, v16  }
.Ltmp5:
0x153: {  	(pc) =	sbr.rel @p0 .LBB2_8-.Ltmp5, $4  }
0x154: {  	s25 =	sadd.s32 s24, s6;
	v14 =	vadd.f32 $1.285000000e+02, v14;
	v15 =	vadd.f32 $1.285000000e+02, v15;
	v13 =	vmul.f32 $2.560000000e+02, v13  }
0x155: {  	v16 =	vmov s25  }
0x156: {  	v17 =	vmax.f32 v14, $0.0e+00;
	v15 =	vmax.f32 v15, $0.0e+00;
	v14 =	vadd.f32 $1.285000000e+02, v13  }
0x157: {  	s24 =	sadd.s32 $0x100, s24;
	v13 =	vmul.u32 $0x3, v16;
	v16 =	vmin.f32 v17, $2.550000000e+02;
	v15 =	vmin.f32 v15, $2.550000000e+02  }
0x158: {  	v15 =	vtrunc.f32 v15;
	v16 =	vtrunc.f32 v16;
	v14 =	vmax.f32 v14, $0.0e+00  }
0x159: {  	v15 =	vcvt.f32.s32 v15;
	v16 =	vcvt.f32.s32 v16;
	v14 =	vmin.f32 v14, $2.550000000e+02  }
0x15a: {  	v13 =	vbroadcast v13, $0x0;
	v14 =	vtrunc.f32 v14  }
0x15b: {  	v14 =	vcvt.f32.s32 v14;
	v15 =	vshll.u32 v15, $0x10;
	v16 =	vshll.u32 v16, $0x8  }
0x15c: {  	v17 =	vadd.s32 v4, v13;
	v15 =	vadd.s32 v15, v16  }
0x15d: {  	v61 =	vadd.s32 v0, v13;
	v14 =	vadd.s32 v14, v15  }
0x15e: {  	s24 =	spop (v2sf);
	v15 =	vshra.s32 v14, $0x17  }
0x15f: {  	v13 =	vadd.s32 v5, v13;
	s23 =	sadd.s32 s23, s24;
	vm1 =	veq.s32 v15, v1  }
0x160: {  	[tilespmem:s23+$0x10080] =	vst.msk vm1, v14  }
0x161: {  	v14 =	vld.idx.msk [tilespmem:v17+s22+$0x0], $0xffff  }
0x162: {  	v15 =	vmpcnt.ones.xlane vm1;
	v16 =	vld.idx.msk [tilespmem:v61+s22+$0x0], $0xffff;
	_ =	sdelay $0x1  }
0x163: {  	v13 =	vld.idx.msk [tilespmem:v13+s22+$0x0], $0xffff;
	(v2sf) =	vpush v15, $0x0;
	_ =	sdelay $0x2  }
0x164: {  	v62 =	vmul.f32 $2.560000000e+02, v16;
	v14 =	vmul.f32 $2.560000000e+02, v14;
	_ =	sdelay $0x1  }
0x165: {  	v13 =	vmul.f32 $2.560000000e+02, v13;
	v15 =	vadd.f32 $1.285000000e+02, v62;
	v14 =	vadd.f32 $1.285000000e+02, v14;
	_ =	sdelay $0x1  }
0x166: {  	v13 =	vadd.f32 $1.285000000e+02, v13;
	v15 =	vmax.f32 v15, $0.0e+00;
	v14 =	vmax.f32 v14, $0.0e+00  }
0x167: {  	v15 =	vmin.f32 v15, $2.550000000e+02;
	v14 =	vmin.f32 v14, $2.550000000e+02  }
0x168: {  	v13 =	vmax.f32 v13, $0.0e+00;
	v15 =	vtrunc.f32 v15;
	v14 =	vtrunc.f32 v14  }
0x169: {  	v13 =	vmin.f32 v13, $2.550000000e+02;
	v15 =	vcvt.f32.s32 v15;
	v14 =	vcvt.f32.s32 v14  }
0x16a: {  	v13 =	vtrunc.f32 v13  }
0x16b: {  	v13 =	vcvt.f32.s32 v13;
	v15 =	vshll.u32 v15, $0x10;
	v14 =	vshll.u32 v14, $0x8  }
0x16c: {  	v14 =	vadd.s32 v15, v14  }
0x16d: {  	v13 =	vadd.s32 v13, v14  }
0x16e: {  	s26 =	spop (v2sf);
	v14 =	vshra.s32 v13, $0x17  }
0x16f: {  	s22 =	sadd.s32 s23, s26;
	vm1 =	veq.s32 v14, v1  }
0x170: {  	[tilespmem:s22+$0x10080] =	vst.msk vm1, v13  }
0x171: {  	v8 =	vld.idx.msk [tilespmem:v8+s13+$0x0], $0xffff  }
0x172: {  	v63 =	vmpcnt.ones.xlane vm1;
	v6 =	vld.idx.msk [tilespmem:v6+s13+$0x0], $0xffff;
	_ =	sdelay $0x1  }
0x173: {  	v7 =	vld.idx.msk [tilespmem:v7+s13+$0x0], $0xffff;
	(v2sf) =	vpush v63, $0x0;
	_ =	sdelay $0x2  }
0x174: {  	v6 =	vmul.f32 $2.560000000e+02, v6;
	v8 =	vmul.f32 $2.560000000e+02, v8;
	_ =	sdelay $0x1  }
0x175: {  	v7 =	vmul.f32 $2.560000000e+02, v7;
	v6 =	vadd.f32 $1.285000000e+02, v6;
	v8 =	vadd.f32 $1.285000000e+02, v8;
	_ =	sdelay $0x1  }
0x176: {  	v7 =	vadd.f32 $1.285000000e+02, v7;
	v6 =	vmax.f32 v6, $0.0e+00;
	v8 =	vmax.f32 v8, $0.0e+00  }
0x177: {  	v6 =	vmin.f32 v6, $2.550000000e+02;
	v8 =	vmin.f32 v8, $2.550000000e+02  }
0x178: {  	v7 =	vmax.f32 v7, $0.0e+00;
	v6 =	vtrunc.f32 v6;
	v8 =	vtrunc.f32 v8  }
0x179: {  	v7 =	vmin.f32 v7, $2.550000000e+02;
	v6 =	vcvt.f32.s32 v6;
	v8 =	vcvt.f32.s32 v8  }
0x17a: {  	v7 =	vtrunc.f32 v7  }
0x17b: {  	v7 =	vcvt.f32.s32 v7;
	v6 =	vshll.u32 v6, $0x10;
	v8 =	vshll.u32 v8, $0x8  }
0x17c: {  	v6 =	vadd.s32 v6, v8  }
0x17d: {  	v6 =	vadd.s32 v7, v6  }
0x17e: {  	s28 =	spop (v2sf);
	v7 =	vshra.s32 v6, $0x17  }
0x17f: {  	s22 =	sadd.s32 s22, s28;
	vm1 =	veq.s32 v7, v1  }
0x180: {  	[tilespmem:s22+$0x10080] =	vst.msk vm1, v6  }
0x181: {  	v6 =	vld.idx.msk [tilespmem:v9+s13+$0x0], $0xffff;
	v9 =	vmpcnt.ones.xlane vm1;
	_ =	sdelay $0x1  }
0x182: {  	(v2sf) =	vpush v9, $0x0  }
0x183: {  	v7 =	vld.idx.msk [tilespmem:v10+s13+$0x0], $0xffff;
	_ =	sdelay $0x1  }
0x184: {  	v8 =	vld.idx.msk [tilespmem:v11+s13+$0x0], $0xffff;
	_ =	sdelay $0x2  }
0x185: {  	v7 =	vmul.f32 $2.560000000e+02, v7;
	v6 =	vmul.f32 $2.560000000e+02, v6;
	_ =	sdelay $0x1  }
0x186: {  	v8 =	vmul.f32 $2.560000000e+02, v8;
	v7 =	vadd.f32 $1.285000000e+02, v7;
	v6 =	vadd.f32 $1.285000000e+02, v6;
	_ =	sdelay $0x1  }
0x187: {  	v9 =	vmax.f32 v7, $0.0e+00;
	v10 =	vmax.f32 v6, $0.0e+00;
	v7 =	vadd.f32 $1.285000000e+02, v8  }
0x188: {  	s23 =	simm.s32 $0x300;
	v6 =	vmul.u32 $0x3, v12;
	v8 =	vmin.f32 v9, $2.550000000e+02;
	v9 =	vmin.f32 v10, $2.550000000e+02  }
.LBB2_10:
0x189: {  	p0 =	sne.s32 s23, $0x1F00;
	v8 =	vtrunc.f32 v8;
	v9 =	vtrunc.f32 v9;
	v7 =	vmax.f32 v7, $0.0e+00  }
0x18a: {  	v8 =	vcvt.f32.s32 v8;
	v9 =	vcvt.f32.s32 v9;
	v7 =	vmin.f32 v7, $2.550000000e+02  }
0x18b: {  	v6 =	vbroadcast v6, $0x0;
	v7 =	vtrunc.f32 v7  }
0x18c: {  	v7 =	vcvt.f32.s32 v7;
	v8 =	vshll.u32 v8, $0x10;
	v9 =	vshll.u32 v9, $0x8;
	s24 =	spop (v2sf)  }
0x18d: {  	v10 =	vadd.s32 v4, v6;
	v8 =	vadd.s32 v8, v9;
	s22 =	sadd.s32 s22, s24  }
0x18e: {  	v9 =	vadd.s32 v0, v6;
	v7 =	vadd.s32 v7, v8  }
0x18f: {  	v8 =	vshra.s32 v7, $0x17  }
0x190: {  	v6 =	vadd.s32 v5, v6;
	vm1 =	veq.s32 v8, v1  }
0x191: {  	v8 =	vmpcnt.ones.xlane vm1;
	[tilespmem:s22+$0x10080] =	vst.msk vm1, v7  }
0x192: {  	v7 =	vld.idx.msk [tilespmem:v10+s13+$0x0], $0xffff  }
0x193: {  	v9 =	vld.idx.msk [tilespmem:v9+s13+$0x0], $0xffff;
	(v2sf) =	vpush v8, $0x0;
	_ =	sdelay $0x1  }
0x194: {  	v6 =	vld.idx.msk [tilespmem:v6+s13+$0x0], $0xffff;
	_ =	sdelay $0x3  }
0x195: {  	v7 =	vmul.f32 $2.560000000e+02, v7;
	v8 =	vmul.f32 $2.560000000e+02, v9  }
.Ltmp6:
0x196: {  	(pc) =	sbr.rel @p0 .LBB2_10-.Ltmp6, $4  }
0x197: {  	s24 =	sadd.s32 s23, s6;
	v7 =	vadd.f32 $1.285000000e+02, v7;
	v8 =	vadd.f32 $1.285000000e+02, v8;
	v6 =	vmul.f32 $2.560000000e+02, v6  }
0x198: {  	v9 =	vmov s24  }
0x199: {  	v10 =	vmax.f32 v7, $0.0e+00;
	v8 =	vmax.f32 v8, $0.0e+00;
	v7 =	vadd.f32 $1.285000000e+02, v6  }
0x19a: {  	s23 =	sadd.s32 $0x100, s23;
	v6 =	vmul.u32 $0x3, v9;
	v9 =	vmin.f32 v10, $2.550000000e+02;
	v8 =	vmin.f32 v8, $2.550000000e+02  }
0x19b: {  	v8 =	vtrunc.f32 v8;
	v9 =	vtrunc.f32 v9;
	v7 =	vmax.f32 v7, $0.0e+00  }
0x19c: {  	v8 =	vcvt.f32.s32 v8;
	v9 =	vcvt.f32.s32 v9;
	v7 =	vmin.f32 v7, $2.550000000e+02  }
0x19d: {  	v6 =	vbroadcast v6, $0x0;
	v7 =	vtrunc.f32 v7  }
0x19e: {  	v7 =	vcvt.f32.s32 v7;
	v8 =	vshll.u32 v8, $0x10;
	v9 =	vshll.u32 v9, $0x8  }
0x19f: {  	v10 =	vadd.s32 v4, v6;
	v8 =	vadd.s32 v8, v9  }
0x1a0: {  	v61 =	vadd.s32 v0, v6;
	v7 =	vadd.s32 v7, v8  }
0x1a1: {  	s23 =	spop (v2sf);
	v8 =	vshra.s32 v7, $0x17  }
0x1a2: {  	v6 =	vadd.s32 v5, v6;
	s22 =	sadd.s32 s22, s23;
	vm1 =	veq.s32 v8, v1  }
0x1a3: {  	[tilespmem:s22+$0x10080] =	vst.msk vm1, v7  }
0x1a4: {  	v7 =	vld.idx.msk [tilespmem:v10+s13+$0x0], $0xffff  }
0x1a5: {  	v62 =	vld.idx.msk [tilespmem:v61+s13+$0x0], $0xffff;
	_ =	sdelay $0x1  }
0x1a6: {  	v6 =	vld.idx.msk [tilespmem:v6+s13+$0x0], $0xffff  }
0x1a7: {  	v63 =	vmpcnt.ones.xlane vm1;
	_ =	sdelay $0x1  }
0x1a8: {  	(v2sf) =	vpush v63, $0x0;
	v8 =	vmul.f32 $2.560000000e+02, v62;
	v7 =	vmul.f32 $2.560000000e+02, v7;
	_ =	sdelay $0x1  }
0x1a9: {  	v6 =	vmul.f32 $2.560000000e+02, v6;
	v8 =	vadd.f32 $1.285000000e+02, v8;
	v7 =	vadd.f32 $1.285000000e+02, v7;
	_ =	sdelay $0x1  }
0x1aa: {  	v6 =	vadd.f32 $1.285000000e+02, v6;
	v8 =	vmax.f32 v8, $0.0e+00;
	v7 =	vmax.f32 v7, $0.0e+00  }
0x1ab: {  	v8 =	vmin.f32 v8, $2.550000000e+02;
	v7 =	vmin.f32 v7, $2.550000000e+02  }
0x1ac: {  	v6 =	vmax.f32 v6, $0.0e+00;
	v8 =	vtrunc.f32 v8;
	v7 =	vtrunc.f32 v7  }
0x1ad: {  	v6 =	vmin.f32 v6, $2.550000000e+02;
	v8 =	vcvt.f32.s32 v8;
	v7 =	vcvt.f32.s32 v7  }
0x1ae: {  	v6 =	vtrunc.f32 v6  }
0x1af: {  	v6 =	vcvt.f32.s32 v6;
	v8 =	vshll.u32 v8, $0x10;
	v7 =	vshll.u32 v7, $0x8  }
0x1b0: {  	v7 =	vadd.s32 v8, v7  }
0x1b1: {  	v6 =	vadd.s32 v6, v7  }
0x1b2: {  	v7 =	vshra.s32 v6, $0x17  }
0x1b3: {  	vm1 =	veq.s32 v7, v1  }
0x1b4: {  	v7 =	vmpcnt.ones.xlane vm1  }
0x1b5: {  	s25 =	spop (v2sf)  }
0x1b6: {  	s22 =	sadd.s32 s22, s25;
	(v2sf) =	vpush v7, $0x0  }
0x1b7: {  	s26 =	simm.s32 $0x0;
	[tilespmem:s22+$0x10080] =	vst.msk vm1, v6  }
0x1b8: {  	v6 =	vld [tilespmem:s26+$0xE480];
	_ =	sdelay $0x4  }
0x1b9: {  	v7 =	vshra.s32 v6, $0x17  }
0x1ba: {  	vm1 =	veq.s32 v7, v1  }
0x1bb: {  	v7 =	vmpcnt.ones.xlane vm1;
	_ =	sdelay $0x1  }
0x1bc: {  	(v2sf) =	vpush v7, $0x0;
	_ =	sdelay $0x3  }
0x1bd: {  	s28 =	spop (v2sf)  }
0x1be: {  	s22 =	sadd.s32 s22, s28  }
0x1bf: {  	s24 =	simm.s32 $0x10;
	s23 =	simm.s32 $0x80;
	[tilespmem:s22+$0x10080] =	vst.msk vm1, v6  }
.LBB2_12:
0x1c0: {  	p0 =	sne.s32 s23, $0x1B40;
	v6 =	vld [tilespmem:s24+$0xE480];
	_ =	sdelay $0x4  }
0x1c1: {  	v7 =	vshra.s32 v6, $0x17  }
0x1c2: {  	vm1 =	veq.s32 v7, v1  }
0x1c3: {  	v7 =	vmpcnt.ones.xlane vm1  }
0x1c4: {  	s24 =	spop (v2sf)  }
0x1c5: {  	(v2sf) =	vpush v7, $0x0;
	s22 =	sadd.s32 s22, s24  }
0x1c6: {  	[tilespmem:s22+$0x10080] =	vst.msk vm1, v6  }
.Ltmp7:
0x1c7: {  	(pc) =	sbr.rel @p0 .LBB2_12-.Ltmp7, $2  }
0x1c8: {  	_ =	sdelay $0x2  }
0x1c9: {  	s24 =	sshra.s32 s23, $0x2;
	s23 =	sadd.s32 $0x40, s23  }
0x1ca: {  	v6 =	vld [tilespmem:s24+$0xE480];
	_ =	sdelay $0x4  }
0x1cb: {  	v7 =	vshra.s32 v6, $0x17  }
0x1cc: {  	vm1 =	veq.s32 v7, v1  }
0x1cd: {  	v7 =	vmpcnt.ones.xlane vm1;
	_ =	sdelay $0x1  }
0x1ce: {  	(v2sf) =	vpush v7, $0x0;
	_ =	sdelay $0xc  }
0x1cf: {  	s23 =	spop (v2sf)  }
0x1d0: {  	s22 =	sadd.s32 s22, s23  }
0x1d1: {  	[tilespmem:s22+$0x10080] =	vst.msk vm1, v6;
	s28 =	spop (v2sf)  }
0x1d2: {  	_ =	swait.ge [sflag:s17], $0x8000  }
0x1d3: {  	[sflag:s17] =	ssyncset.done $0x0  }
0x1d4: {  	[sflag:s17] =	ssyncadd.s32 $0xFFFF8000  }
0x1d5: {  	_ =	swait.ge [sflag:s17], $0x8000  }
0x1d6: {  	[sflag:s17] =	ssyncset.done $0x0  }
0x1d7: {  	[sflag:s17] =	ssyncadd.s32 $0xFFFF8000  }
0x1d8: {  	_ =	swait.ge [sflag:s17], $0x8000  }
0x1d9: {  	[sflag:s17] =	ssyncset.done $0x0  }
0x1da: {  	[sflag:s17] =	ssyncadd.s32 $0xFFFF8000  }
0x1db: {  	_ =	swait.ge [sflag:s17], $0x8000  }
0x1dc: {  	[sflag:s17] =	ssyncset.done $0x0  }
0x1dd: {  	[sflag:s17] =	ssyncadd.s32 $0xFFFF8000  }
0x1de: {  	_ =	swait.ge [sflag:s17], $0x8000  }
0x1df: {  	[sflag:s17] =	ssyncset.done $0x0  }
0x1e0: {  	[sflag:s17] =	ssyncadd.s32 $0xFFFF8000  }
0x1e1: {  	_ =	swait.ge [sflag:s17], $0x8000  }
0x1e2: {  	[sflag:s17] =	ssyncset.done $0x0  }
0x1e3: {  	[sflag:s17] =	ssyncadd.s32 $0xFFFF8000  }
0x1e4: {  	_ =	swait.ge [sflag:s17], $0x8000  }
0x1e5: {  	[sflag:s17] =	ssyncset.done $0x0  }
0x1e6: {  	[sflag:s17] =	ssyncadd.s32 $0xFFFF8000  }
0x1e7: {  	_ =	swait.ge [sflag:s17], $0x8000  }
0x1e8: {  	[sflag:s17] =	ssyncset.done $0x0  }
0x1e9: {  	[sflag:s17] =	ssyncadd.s32 $0xFFFF8000  }
0x1ea: {  	_ =	swait.ge [sflag:s17], $0x8000  }
0x1eb: {  	[sflag:s17] =	ssyncset.done $0x0  }
0x1ec: {  	[sflag:s17] =	ssyncadd.s32 $0xFFFF8000  }
0x1ed: {  	_ =	swait.ge [sflag:s17], $0x8000  }
0x1ee: {  	[sflag:s17] =	ssyncset.done $0x0  }
0x1ef: {  	[sflag:s17] =	ssyncadd.s32 $0xFFFF8000  }
0x1f0: {  	_ =	swait.ge [sflag:s17], $0x8000  }
0x1f1: {  	[sflag:s17] =	ssyncset.done $0x0  }
0x1f2: {  	[sflag:s17] =	ssyncadd.s32 $0xFFFF8000  }
0x1f3: {  	_ =	swait.ge [sflag:s17], $0x8000  }
0x1f4: {  	[sflag:s17] =	ssyncset.done $0x0  }
0x1f5: {  	[sflag:s17] =	ssyncadd.s32 $0xFFFF8000  }
0x1f6: {  	_ =	swait.ge [sflag:s17], $0x8000  }
0x1f7: {  	[sflag:s17] =	ssyncset.done $0x0  }
0x1f8: {  	s23 =	sadd.s32 s22, s28;
	[sflag:s17] =	ssyncadd.s32 $0xFFFF8000  }
0x1f9: {  	p0 =	slt.s32 s23, $0x1;
	_ =	swait.ge [sflag:s17], $0x8000  }
0x1fa: {  	s22 =	sadd.s32 @!p0 $0xF, s23;
	[sflag:s17] =	ssyncset.done $0x0  }
0x1fb: {  	s24 =	sand.u32 @!p0 $0xF, s22;
	p1 =	slt.s32 @!p0 s22, $0x0;
	[sflag:s17] =	ssyncadd.s32 $0xFFFF8000  }
0x1fc: {  	p2 =	sne.s32 @!p0 s24, $0x0;
	s24 =	sshra.s32 @!p0 s22, $0x1F;
	_ =	swait.ge [sflag:s17], $0x8000  }
0x1fd: {  	p1 =	por @!p0 !p1, !p2;
	s24 =	sshrl.u32 @!p0 s24, $0x1C;
	[sflag:s17] =	ssyncset.done $0x0  }
0x1fe: {  	p1 =	por @!p0 !p1, !p1;
	s22 =	sadd.s32 @!p0 s24, s22;
	[sflag:s17] =	ssyncadd.s32 $0xFFFF8000  }
0x1ff: {  	s24 =	simm.s32 @!p0 $0x1;
	p1 =	por !p1, p0;
	_ =	swait.ge [sflag:s17], $0x8000  }
0x200: {  	s22 =	sshra.s32 @!p0 s22, $0x4;
	s24 =	simm.s32 @p1 $0x0;
	[sflag:s17] =	ssyncset.done $0x0  }
0x201: {  	s22 =	ssub.s32 @!p0 s22, s24;
	[sflag:s17] =	ssyncadd.s32 $0xFFFF8000  }
0x202: {  	p1 =	slt.s32 @!p0 s22, $0x1;
	[bflag:$0x0] =	sbarrier.arrive $0xFFFF  }
0x203: {  	p1 =	por p0, p1;
	v6 =	vld.msk @!p0 [tilespmem:$0x10080 ss:$0x0], $0xffff  }
.Ltmp8:
0x204: {  	_ = 	snop;
	(pc) =	sbr.rel @p1 .LBB2_19-.Ltmp8, $2  }
0x205: {  	_ =	sdelay $0x2  }
0x206: {  	[tilespmem:s23+$0x10080] =	vst @!p0 v6;
	s23 =	simm.s32 @!p0 $0x10080  }
0x207: {  	p0 =	sne.s32 s22, $0x1  }
.Ltmp9:
0x208: {  	_ = 	snop;
	(pc) =	sbr.rel @!p0 .LBB2_16-.Ltmp9, $2  }
0x209: {  	_ =	sdelay $0x2  }
0x20a: {  	v6 =	vld [tilespmem:s23+$0x0];
	s24 =	sadd.s32 $0xFFFFFFFF, s22  }
.LBB2_15:
0x20b: {  	p0 =	sne.s32 s24, $0x1;
	_ =	sdelay $0x3  }
.Ltmp10:
0x20c: {  	(pc) =	sbr.rel @p0 .LBB2_15-.Ltmp10, $4  }
0x20d: {  	_ = 	snop  }
0x20e: {  	s23 =	sadd.s32 $0x10, s23  }
0x20f: {  	[hbm4b:s11+s2] =	stream.indirect_vreg.scatter [tilespmem:s18], [sflag:$0x2], $0x1, v6, vm0, $0xb8;
	[tilespmem:$0x18B00] =	vst v63  }
0x210: {  	s24 =	sadd.s32 $0xFFFFFFFF, s24;
	v6 =	vld [tilespmem:s23+$0x0]  }
.LBB2_16:
0x211: {  	_ =	sdelay $0x4  }
0x212: {  	p0 =	sne.s32 s22, $0x1  }
.Ltmp11:
0x213: {  	_ = 	snop;
	(pc) =	sbr.rel @!p0 .LBB2_18-.Ltmp11, $4  }
0x214: {  	_ = 	snop  }
0x215: {  	[hbm4b:s11+s2] =	stream.indirect_vreg.scatter [tilespmem:s18], [sflag:$0x2], $0x1, v6, vm0, $0xb8;
	[tilespmem:$0x18B00] =	vst v63  }
0x216: {  	_ =	swait.ge [sflag:s19], $0x10  }
0x217: {  	s22 =	sadd.s32 $0xFFFFFFFF, s22;
	[sflag:s19] =	ssyncset.done $0x0  }
.LBB2_17:
0x218: {  	p0 =	sne.s32 s22, $0x1;
	s22 =	sadd.s32 $0xFFFFFFFF, s22;
	[sflag:s19] =	ssyncadd.s32 $0xFFFFFFF0  }
.Ltmp12:
0x219: {  	(pc) =	sbr.rel @p0 .LBB2_17-.Ltmp12, $3  }
0x21a: {  	_ =	sdelay $0x1  }
0x21b: {  	_ =	swait.ge [sflag:s19], $0x10  }
0x21c: {  	[sflag:s19] =	ssyncset.done $0x0  }
.Ltmp13:
0x21d: {  	_ = 	snop;
	(pc) =	sbr.rel .LBB2_18-.Ltmp13, $1  }
0x21e: {  	_ =	sdelay $0x3  }
.LBB2_20:
0x21f: {  	_ =	sfence.sel $0x180000  }
0x220: {  	[bflag:$0x0] =	sbarrier.arrive $0xFFFF  }
0x221: {  	_ =	strace $0x90000047  }
0x222: {  	s0 =	stileid.u32;
	[bflag:$0x2] =	sbarrier.arrive $0xFFFF  }
0x223: {  	p0 =	sne.s32 s0, $0x0;
	s0 =	rddreg [dreg:$0x3]  }
0x224: {  	s0 =	sadd.s32 @!p0 $0x100000, s0  }
0x225: {  	[sflag:s0] =	ssyncadd.tile.s32 @!p0 $0x1;
	_ =	shalt  }
.Lfunc_end2:
_tile_overlayer_lowered:
.L_overlay_start_2:
0x226: {  	(tag) =	ssettag $0x2  }
0x227: {  	s0 =	rddreg [dreg:$0x0];
	s2 =	stileid.u32  }
0x228: {  	s1 =	rddreg [dreg:$0x1];
	p0 =	sne.s32 s2, $0x0  }
0x229: {  	s3 =	rddreg [dreg:$0x2];
	[bflag:$0x3] =	sbarrier.arrive $0xFFFF;
	s2 =	simm.s32 @!p0 $0x1C04  }
0x22a: {  	[timem:s3], [sflag:s2] =	dma.local @!p0 [hbm:s0], s1  }
0x22b: {  	s0 =	simm.s32 @!p0 $0x4  }
0x22c: {  	_ =	swait.ge @!p0 [sflag:s0], s1  }
0x22d: {  	s1 =	ssub.s32 @!p0 $0x0, s1;
	[sflag:s0] =	ssyncset.done @!p0 $0x0  }
0x22e: {  	[sflag:s0] =	ssyncadd.s32 @!p0 s1  }
0x22f: {  	[bflag:$0x3] =	sbarrier.arrive $0xFFFF  }
0x230: {  	_ =	shalt  }

</sc_bundles>
